<compile_context>
chip_gen: v7x
topology: tpu7x:2x2x1
jax: 0.10.2.dev20260603
libtpu: 0.0.44.dev20260713+nightly
codegen_flags: <defaults>
</compile_context>

<pallas_src>
import functools

import jax
import jax.numpy as jnp
from jax import lax
from jax.experimental import pallas as pl
from jax.experimental.pallas import tpu as pltpu
from jax.experimental.pallas import tpu_sc as plsc

V, E, B, K = 1000000, 64, 16384, 20
NC, NS = 2, 16
NW = NC * NS
S = B // NW
C = 32
NCH = S // C
NIR = C * K // 128
NROW = S * K // 128
EV = E // 16


def _sc_partials(center, outside, neg2d, emb_center, emb_outside):
  mesh = plsc.VectorSubcoreMesh(core_axis_name="c", subcore_axis_name="s")

  @functools.partial(
      pl.kernel, mesh=mesh,
      out_type=jax.ShapeDtypeStruct((B, 32), jnp.float32),
      compiler_params=pltpu.CompilerParams(use_tc_tiling_on_sc=False),
      scratch_types=[
          pltpu.VMEM((S,), jnp.int32),
          pltpu.VMEM((S,), jnp.int32),
          pltpu.VMEM((NROW, 128), jnp.int32),
          pltpu.VMEM((C, E), jnp.float32),
          pltpu.VMEM((C, E), jnp.float32),
          pltpu.VMEM((C, E), jnp.float32),
          pltpu.VMEM((C, E), jnp.float32),
          pltpu.VMEM((C * K, E), jnp.float32),
          pltpu.VMEM((C * K, E), jnp.float32),
          pltpu.VMEM((S, 32), jnp.float32),
          pltpu.SemaphoreType.DMA,
          pltpu.SemaphoreType.DMA,
      ])
  def k(center_hbm, outside_hbm, neg_hbm, embc_hbm, embo_hbm, out_hbm,
        cidx, oidx, nidx, crows0, crows1, orows0, orows1, nrows0, nrows1,
        outv, sem0, sem1):
    crows = (crows0, crows1)
    orows = (orows0, orows1)
    nrows = (nrows0, nrows1)
    sems = (sem0, sem1)
    wid = lax.axis_index("s") * NC + lax.axis_index("c")
    base = wid * S

    pltpu.sync_copy(center_hbm.at[pl.ds(base, S)], cidx)
    pltpu.sync_copy(outside_hbm.at[pl.ds(base, S)], oidx)
    pltpu.sync_copy(neg_hbm.at[pl.ds(wid * NROW, NROW), :], nidx)

    def issue(g, p):
      pltpu.async_copy(embc_hbm.at[cidx.at[pl.ds(g * C, C)]], crows[p], sems[p])
      pltpu.async_copy(embo_hbm.at[oidx.at[pl.ds(g * C, C)]], orows[p], sems[p])
      for j in range(NIR):
        pltpu.async_copy(embo_hbm.at[nidx.at[g * NIR + j]],
                         nrows[p].at[pl.ds(j * 128, 128)], sems[p])

    def wait(p):
      pltpu.make_async_copy(embc_hbm.at[pl.ds(0, C)], crows[p], sems[p]).wait()
      pltpu.make_async_copy(embo_hbm.at[pl.ds(0, C)], orows[p], sems[p]).wait()
      pltpu.make_async_copy(embo_hbm.at[pl.ds(0, C * K)], nrows[p],
                            sems[p]).wait()

    def compute(g, p):
      cr, orr, nr = crows[p], orows[p], nrows[p]

      def body(b, carry):
        cs = [cr[b, pl.ds(16 * j, 16)] for j in range(EV)]
        acc_o = cs[0] * orr[b, pl.ds(0, 16)]
        for j in range(1, EV):
          acc_o = acc_o + cs[j] * orr[b, pl.ds(16 * j, 16)]
        acc_n = None
        for j in range(EV):
          s = nr[b * K, pl.ds(16 * j, 16)]
          for kk in range(1, K):
            s = s + nr[b * K + kk, pl.ds(16 * j, 16)]
          t = s * cs[j]
          acc_n = t if acc_n is None else acc_n + t
        row = g * C + b
        outv[row, pl.ds(0, 16)] = acc_o
        outv[row, pl.ds(16, 16)] = acc_n
        return carry

      lax.fori_loop(0, C, body, 0)

    issue(0, 0)

    def outer(gp, carry):
      for lane in range(2):
        g = gp * 2 + lane

        @pl.when(g + 1 < NCH)
        def _():
          issue(g + 1, (lane + 1) % 2)

        wait(lane)
        compute(g, lane)
      return carry

    lax.fori_loop(0, NCH // 2, outer, 0)
    pltpu.sync_copy(outv, out_hbm.at[pl.ds(base, S), :])

  return k(center, outside, neg2d, emb_center, emb_outside)


def _logsig(x):
  return jnp.minimum(x, 0.0) - jnp.log1p(jnp.exp(-jnp.abs(x)))


def _finish_body(p_ref, o_ref):
  x = p_ref[...]
  uovc = jnp.sum(x[:, 0:16], axis=1)
  nd = jnp.sum(x[:, 16:32], axis=1)
  loss = _logsig(uovc) + _logsig(-nd)
  o_ref[...] = jnp.broadcast_to(-jnp.mean(loss), (1, 1))


def kernel(center, outside, negative, emb_center, emb_outside):
  c = center.reshape(B).astype(jnp.int32)
  o = outside.reshape(B).astype(jnp.int32)
  n = negative.reshape(B * K // 128, 128).astype(jnp.int32)
  parts = _sc_partials(c, o, n, emb_center, emb_outside)
  out = pl.pallas_call(
      _finish_body,
      out_shape=jax.ShapeDtypeStruct((1, 1), jnp.float32))(parts)
  return out[0, 0]

# --- scband reference (transcript-rebuilt; emitter-appended) ---
"""Pipeline reference for scband-skipgram-neg-33672543601024 (READ-ONLY COPY).

The authoritative reference and input builder live on the scoring server;
editing this copy changes nothing except your own understanding.
"""

import jax, jax.numpy as jnp
import numpy as np

V, E, B, K = 1000000, 64, 16384, 20

def setup_inputs(seed: int = 0) -> dict:
    key = jax.random.key(seed)
    ks = jax.random.split(key, 5)
    center = jax.random.randint(ks[0], (B, 1), 0, V, dtype=jnp.int64) if jax.config.jax_enable_x64 else jax.random.randint(ks[0], (B, 1), 0, V)
    outside = jax.random.randint(ks[1], (B, 1), 0, V)
    negative = jax.random.randint(ks[2], (B, K), 0, V)
    emb_center = jax.random.normal(ks[3], (V, E), dtype=jnp.float32)
    emb_outside = jax.random.normal(ks[4], (V, E), dtype=jnp.float32)
    return {"center": center, "outside": outside, "negative": negative,
            "emb_center": emb_center, "emb_outside": emb_outside}

def reference(center, outside, negative, emb_center, emb_outside):
    center_embed = jnp.take(emb_center, center, axis=0)      # [B, 1, E]
    outside_embed = jnp.take(emb_outside, outside, axis=0)   # [B, 1, E]
    negative_embed = jnp.take(emb_outside, negative, axis=0) # [B, K, E]
    # outside_embed.bmm(center_embed.transpose(1,2)).squeeze(2) -> [B, 1]
    uovc = jnp.squeeze(jnp.matmul(outside_embed, jnp.swapaxes(center_embed, 1, 2)), axis=2)
    # -negative_embed.bmm(center_embed.transpose(1,2)).squeeze(2) -> [B, K]
    ukvc = -jnp.squeeze(jnp.matmul(negative_embed, jnp.swapaxes(center_embed, 1, 2)), axis=2)
    ukvc_sum = jnp.sum(ukvc, axis=1).reshape(-1, 1)          # [B, 1]
    loss = jax.nn.log_sigmoid(uovc) + jax.nn.log_sigmoid(ukvc_sum)
    return -jnp.mean(loss)

if __name__ == "__main__":
    import jax
    _d = setup_inputs()
    print(jax.jit(kernel)(*tuple(_d.values())))

</pallas_src>

<mosaic_0001>
#map = affine_map<(d0, d1) -> (0)>
#map1 = affine_map<(d0, d1) -> (0, 0)>
module attributes {stable_mosaic.version = 14 : i64} {
  func.func @k(%arg0: i32, %arg1: i32, %arg2: memref<16384xi32, #tpu.memory_space<hbm>>, %arg3: memref<16384xi32, #tpu.memory_space<hbm>>, %arg4: memref<2560x128xi32, #tpu.memory_space<hbm>>, %arg5: memref<1000000x64xf32, #tpu.memory_space<hbm>>, %arg6: memref<1000000x64xf32, #tpu.memory_space<hbm>>, %arg7: memref<16384x32xf32, #tpu.memory_space<hbm>>, %arg8: memref<512xi32, #tpu.memory_space<vmem>>, %arg9: memref<512xi32, #tpu.memory_space<vmem>>, %arg10: memref<80x128xi32, #tpu.memory_space<vmem>>, %arg11: memref<32x64xf32, #tpu.memory_space<vmem>>, %arg12: memref<32x64xf32, #tpu.memory_space<vmem>>, %arg13: memref<32x64xf32, #tpu.memory_space<vmem>>, %arg14: memref<32x64xf32, #tpu.memory_space<vmem>>, %arg15: memref<640x64xf32, #tpu.memory_space<vmem>>, %arg16: memref<640x64xf32, #tpu.memory_space<vmem>>, %arg17: memref<512x32xf32, #tpu.memory_space<vmem>>, %arg18: memref<!tpu.dma_semaphore, #tpu.memory_space<semaphore_mem>>, %arg19: memref<!tpu.dma_semaphore, #tpu.memory_space<semaphore_mem>>) attributes {dimension_semantics = [#tpu.dimension_semantics<core_parallel>, #tpu.dimension_semantics<subcore_parallel>], iteration_bounds = array<i64: 2, 16>, scalar_prefetch = 0 : i64, scratch_operands = 12 : i64, tpu.core_type = #tpu.core_type<sc_vector_subcore>, window_params = [{transform_indices = #map}, {transform_indices = #map}, {transform_indices = #map1}, {transform_indices = #map1}, {transform_indices = #map1}, {transform_indices = #map1}]} {
    %mul3A = arith.constant 2 : i32
    %mul3A_0 = arith.muli %arg1, %mul3A : i32
    %add3A = arith.addi %mul3A_0, %arg0 : i32
    %mul3A_1 = arith.constant 512 : i32
    %mul3A_2 = arith.muli %add3A, %mul3A_1 : i32
    "tpu.region"() ({
      %run_scoped3A = tpu.sem_alloc : memref<!tpu.dma_semaphore, #tpu.memory_space<semaphore_mem>>
      %dma_start3A_69 = tpu.memref_slice %arg2[%mul3A_2] : memref<16384xi32, #tpu.memory_space<hbm>> -> memref<512xi32, #tpu.memory_space<hbm>>
      %dma_start3A_70 = tpu.memref_slice %arg2[%mul3A_2] : memref<16384xi32, #tpu.memory_space<hbm>> -> memref<512xi32, #tpu.memory_space<hbm>>
      tpu.enqueue_dma source(%dma_start3A_70 : memref<512xi32, #tpu.memory_space<hbm>>) target(%arg8 : memref<512xi32, #tpu.memory_space<vmem>>) target_semaphore(%run_scoped3A : memref<!tpu.dma_semaphore, #tpu.memory_space<semaphore_mem>>)
      %dma_wait3A = tpu.memref_slice %arg2[%mul3A_2] : memref<16384xi32, #tpu.memory_space<hbm>> -> memref<512xi32, #tpu.memory_space<hbm>>
      %dma_wait3A_71 = tpu.memref_slice %arg2[%mul3A_2] : memref<16384xi32, #tpu.memory_space<hbm>> -> memref<512xi32, #tpu.memory_space<hbm>>
      tpu.wait_dma2 semaphore(%run_scoped3A : memref<!tpu.dma_semaphore, #tpu.memory_space<semaphore_mem>>) src(%dma_wait3A_71 : memref<512xi32, #tpu.memory_space<hbm>>) dst(%arg8 : memref<512xi32, #tpu.memory_space<vmem>>)
      tpu.yield
    }) : () -> ()
    "tpu.region"() ({
      %run_scoped3A = tpu.sem_alloc : memref<!tpu.dma_semaphore, #tpu.memory_space<semaphore_mem>>
      %dma_start3A_69 = tpu.memref_slice %arg3[%mul3A_2] : memref<16384xi32, #tpu.memory_space<hbm>> -> memref<512xi32, #tpu.memory_space<hbm>>
      %dma_start3A_70 = tpu.memref_slice %arg3[%mul3A_2] : memref<16384xi32, #tpu.memory_space<hbm>> -> memref<512xi32, #tpu.memory_space<hbm>>
      tpu.enqueue_dma source(%dma_start3A_70 : memref<512xi32, #tpu.memory_space<hbm>>) target(%arg9 : memref<512xi32, #tpu.memory_space<vmem>>) target_semaphore(%run_scoped3A : memref<!tpu.dma_semaphore, #tpu.memory_space<semaphore_mem>>)
      %dma_wait3A = tpu.memref_slice %arg3[%mul3A_2] : memref<16384xi32, #tpu.memory_space<hbm>> -> memref<512xi32, #tpu.memory_space<hbm>>
      %dma_wait3A_71 = tpu.memref_slice %arg3[%mul3A_2] : memref<16384xi32, #tpu.memory_space<hbm>> -> memref<512xi32, #tpu.memory_space<hbm>>
      tpu.wait_dma2 semaphore(%run_scoped3A : memref<!tpu.dma_semaphore, #tpu.memory_space<semaphore_mem>>) src(%dma_wait3A_71 : memref<512xi32, #tpu.memory_space<hbm>>) dst(%arg9 : memref<512xi32, #tpu.memory_space<vmem>>)
      tpu.yield
    }) : () -> ()
    %mul3A_3 = arith.constant 80 : i32
    %mul3A_4 = arith.muli %add3A, %mul3A_3 : i32
    "tpu.region"() ({
      %run_scoped3A = tpu.sem_alloc : memref<!tpu.dma_semaphore, #tpu.memory_space<semaphore_mem>>
      %dma_start3A_69 = arith.constant 0 : i32
      %dma_start3A_70 = tpu.memref_slice %arg4[%mul3A_4, %dma_start3A_69] : memref<2560x128xi32, #tpu.memory_space<hbm>> -> memref<80x128xi32, #tpu.memory_space<hbm>>
      %dma_start3A_71 = arith.constant 0 : i32
      %dma_start3A_72 = tpu.memref_slice %arg4[%mul3A_4, %dma_start3A_71] : memref<2560x128xi32, #tpu.memory_space<hbm>> -> memref<80x128xi32, #tpu.memory_space<hbm>>
      tpu.enqueue_dma source(%dma_start3A_72 : memref<80x128xi32, #tpu.memory_space<hbm>>) target(%arg10 : memref<80x128xi32, #tpu.memory_space<vmem>>) target_semaphore(%run_scoped3A : memref<!tpu.dma_semaphore, #tpu.memory_space<semaphore_mem>>)
      %dma_wait3A = arith.constant 0 : i32
      %dma_wait3A_73 = tpu.memref_slice %arg4[%mul3A_4, %dma_wait3A] : memref<2560x128xi32, #tpu.memory_space<hbm>> -> memref<80x128xi32, #tpu.memory_space<hbm>>
      %dma_wait3A_74 = arith.constant 0 : i32
      %dma_wait3A_75 = tpu.memref_slice %arg4[%mul3A_4, %dma_wait3A_74] : memref<2560x128xi32, #tpu.memory_space<hbm>> -> memref<80x128xi32, #tpu.memory_space<hbm>>
      tpu.wait_dma2 semaphore(%run_scoped3A : memref<!tpu.dma_semaphore, #tpu.memory_space<semaphore_mem>>) src(%dma_wait3A_75 : memref<80x128xi32, #tpu.memory_space<hbm>>) dst(%arg10 : memref<80x128xi32, #tpu.memory_space<vmem>>)
      tpu.yield
    }) : () -> ()
    %dma_start3A = arith.constant 0 : i32
    %dma_start3A_5 = tpu.memref_slice %arg8[%dma_start3A] : memref<512xi32, #tpu.memory_space<vmem>> -> memref<32xi32, #tpu.memory_space<vmem>>
    %dma_start3A_6 = arith.constant 0 : i32
    %dma_start3A_7 = arith.constant 0 : i32
    %dma_start3A_8 = tpu.memref_slice %arg5[%dma_start3A_6, %dma_start3A_7] : memref<1000000x64xf32, #tpu.memory_space<hbm>> -> memref<1000000x64xf32, #tpu.memory_space<hbm>>
    tpu.enqueue_indirect_dma source(%dma_start3A_8 : memref<1000000x64xf32, #tpu.memory_space<hbm>>) target(%arg11 : memref<32x64xf32, #tpu.memory_space<vmem>>) offsets(%dma_start3A_5 : memref<32xi32, #tpu.memory_space<vmem>>) semaphore(%arg18 : memref<!tpu.dma_semaphore, #tpu.memory_space<semaphore_mem>>)
    %dma_start3A_9 = arith.constant 0 : i32
    %dma_start3A_10 = tpu.memref_slice %arg9[%dma_start3A_9] : memref<512xi32, #tpu.memory_space<vmem>> -> memref<32xi32, #tpu.memory_space<vmem>>
    %dma_start3A_11 = arith.constant 0 : i32
    %dma_start3A_12 = arith.constant 0 : i32
    %dma_start3A_13 = tpu.memref_slice %arg6[%dma_start3A_11, %dma_start3A_12] : memref<1000000x64xf32, #tpu.memory_space<hbm>> -> memref<1000000x64xf32, #tpu.memory_space<hbm>>
    tpu.enqueue_indirect_dma source(%dma_start3A_13 : memref<1000000x64xf32, #tpu.memory_space<hbm>>) target(%arg13 : memref<32x64xf32, #tpu.memory_space<vmem>>) offsets(%dma_start3A_10 : memref<32xi32, #tpu.memory_space<vmem>>) semaphore(%arg18 : memref<!tpu.dma_semaphore, #tpu.memory_space<semaphore_mem>>)
    %dma_start3A_14 = arith.constant 0 : i32
    %dma_start3A_15 = arith.constant 0 : i32
    %dma_start3A_16 = arith.constant 0 : i32
    %dma_start3A_17 = tpu.memref_slice %arg15[%dma_start3A_15, %dma_start3A_16] : memref<640x64xf32, #tpu.memory_space<vmem>> -> memref<128x64xf32, #tpu.memory_space<vmem>>
    %dma_start3A_18 = arith.constant 0 : i32
    %dma_start3A_19 = tpu.memref_slice %arg10[%dma_start3A_14, %dma_start3A_18] : memref<80x128xi32, #tpu.memory_space<vmem>> -> memref<1x128xi32, #tpu.memory_space<vmem>>
    %dma_start3A_20 = tpu.memref_squeeze %dma_start3A_19 : memref<1x128xi32, #tpu.memory_space<vmem>> -> memref<128xi32, #tpu.memory_space<vmem>>
    %dma_start3A_21 = arith.constant 0 : i32
    %dma_start3A_22 = arith.constant 0 : i32
    %dma_start3A_23 = tpu.memref_slice %arg6[%dma_start3A_21, %dma_start3A_22] : memref<1000000x64xf32, #tpu.memory_space<hbm>> -> memref<1000000x64xf32, #tpu.memory_space<hbm>>
    tpu.enqueue_indirect_dma source(%dma_start3A_23 : memref<1000000x64xf32, #tpu.memory_space<hbm>>) target(%dma_start3A_17 : memref<128x64xf32, #tpu.memory_space<vmem>>) offsets(%dma_start3A_20 : memref<128xi32, #tpu.memory_space<vmem>>) semaphore(%arg18 : memref<!tpu.dma_semaphore, #tpu.memory_space<semaphore_mem>>)
    %dma_start3A_24 = arith.constant 1 : i32
    %dma_start3A_25 = arith.constant 128 : i32
    %dma_start3A_26 = arith.constant 0 : i32
    %dma_start3A_27 = tpu.memref_slice %arg15[%dma_start3A_25, %dma_start3A_26] : memref<640x64xf32, #tpu.memory_space<vmem>> -> memref<128x64xf32, #tpu.memory_space<vmem>>
    %dma_start3A_28 = arith.constant 0 : i32
    %dma_start3A_29 = tpu.memref_slice %arg10[%dma_start3A_24, %dma_start3A_28] : memref<80x128xi32, #tpu.memory_space<vmem>> -> memref<1x128xi32, #tpu.memory_space<vmem>>
    %dma_start3A_30 = tpu.memref_squeeze %dma_start3A_29 : memref<1x128xi32, #tpu.memory_space<vmem>> -> memref<128xi32, #tpu.memory_space<vmem>>
    %dma_start3A_31 = arith.constant 0 : i32
    %dma_start3A_32 = arith.constant 0 : i32
    %dma_start3A_33 = tpu.memref_slice %arg6[%dma_start3A_31, %dma_start3A_32] : memref<1000000x64xf32, #tpu.memory_space<hbm>> -> memref<1000000x64xf32, #tpu.memory_space<hbm>>
    tpu.enqueue_indirect_dma source(%dma_start3A_33 : memref<1000000x64xf32, #tpu.memory_space<hbm>>) target(%dma_start3A_27 : memref<128x64xf32, #tpu.memory_space<vmem>>) offsets(%dma_start3A_30 : memref<128xi32, #tpu.memory_space<vmem>>) semaphore(%arg18 : memref<!tpu.dma_semaphore, #tpu.memory_space<semaphore_mem>>)
    %dma_start3A_34 = arith.constant 2 : i32
    %dma_start3A_35 = arith.constant 256 : i32
    %dma_start3A_36 = arith.constant 0 : i32
    %dma_start3A_37 = tpu.memref_slice %arg15[%dma_start3A_35, %dma_start3A_36] : memref<640x64xf32, #tpu.memory_space<vmem>> -> memref<128x64xf32, #tpu.memory_space<vmem>>
    %dma_start3A_38 = arith.constant 0 : i32
    %dma_start3A_39 = tpu.memref_slice %arg10[%dma_start3A_34, %dma_start3A_38] : memref<80x128xi32, #tpu.memory_space<vmem>> -> memref<1x128xi32, #tpu.memory_space<vmem>>
    %dma_start3A_40 = tpu.memref_squeeze %dma_start3A_39 : memref<1x128xi32, #tpu.memory_space<vmem>> -> memref<128xi32, #tpu.memory_space<vmem>>
    %dma_start3A_41 = arith.constant 0 : i32
    %dma_start3A_42 = arith.constant 0 : i32
    %dma_start3A_43 = tpu.memref_slice %arg6[%dma_start3A_41, %dma_start3A_42] : memref<1000000x64xf32, #tpu.memory_space<hbm>> -> memref<1000000x64xf32, #tpu.memory_space<hbm>>
    tpu.enqueue_indirect_dma source(%dma_start3A_43 : memref<1000000x64xf32, #tpu.memory_space<hbm>>) target(%dma_start3A_37 : memref<128x64xf32, #tpu.memory_space<vmem>>) offsets(%dma_start3A_40 : memref<128xi32, #tpu.memory_space<vmem>>) semaphore(%arg18 : memref<!tpu.dma_semaphore, #tpu.memory_space<semaphore_mem>>)
    %dma_start3A_44 = arith.constant 3 : i32
    %dma_start3A_45 = arith.constant 384 : i32
    %dma_start3A_46 = arith.constant 0 : i32
    %dma_start3A_47 = tpu.memref_slice %arg15[%dma_start3A_45, %dma_start3A_46] : memref<640x64xf32, #tpu.memory_space<vmem>> -> memref<128x64xf32, #tpu.memory_space<vmem>>
    %dma_start3A_48 = arith.constant 0 : i32
    %dma_start3A_49 = tpu.memref_slice %arg10[%dma_start3A_44, %dma_start3A_48] : memref<80x128xi32, #tpu.memory_space<vmem>> -> memref<1x128xi32, #tpu.memory_space<vmem>>
    %dma_start3A_50 = tpu.memref_squeeze %dma_start3A_49 : memref<1x128xi32, #tpu.memory_space<vmem>> -> memref<128xi32, #tpu.memory_space<vmem>>
    %dma_start3A_51 = arith.constant 0 : i32
    %dma_start3A_52 = arith.constant 0 : i32
    %dma_start3A_53 = tpu.memref_slice %arg6[%dma_start3A_51, %dma_start3A_52] : memref<1000000x64xf32, #tpu.memory_space<hbm>> -> memref<1000000x64xf32, #tpu.memory_space<hbm>>
    tpu.enqueue_indirect_dma source(%dma_start3A_53 : memref<1000000x64xf32, #tpu.memory_space<hbm>>) target(%dma_start3A_47 : memref<128x64xf32, #tpu.memory_space<vmem>>) offsets(%dma_start3A_50 : memref<128xi32, #tpu.memory_space<vmem>>) semaphore(%arg18 : memref<!tpu.dma_semaphore, #tpu.memory_space<semaphore_mem>>)
    %dma_start3A_54 = arith.constant 4 : i32
    %dma_start3A_55 = arith.constant 512 : i32
    %dma_start3A_56 = arith.constant 0 : i32
    %dma_start3A_57 = tpu.memref_slice %arg15[%dma_start3A_55, %dma_start3A_56] : memref<640x64xf32, #tpu.memory_space<vmem>> -> memref<128x64xf32, #tpu.memory_space<vmem>>
    %dma_start3A_58 = arith.constant 0 : i32
    %dma_start3A_59 = tpu.memref_slice %arg10[%dma_start3A_54, %dma_start3A_58] : memref<80x128xi32, #tpu.memory_space<vmem>> -> memref<1x128xi32, #tpu.memory_space<vmem>>
    %dma_start3A_60 = tpu.memref_squeeze %dma_start3A_59 : memref<1x128xi32, #tpu.memory_space<vmem>> -> memref<128xi32, #tpu.memory_space<vmem>>
    %dma_start3A_61 = arith.constant 0 : i32
    %dma_start3A_62 = arith.constant 0 : i32
    %dma_start3A_63 = tpu.memref_slice %arg6[%dma_start3A_61, %dma_start3A_62] : memref<1000000x64xf32, #tpu.memory_space<hbm>> -> memref<1000000x64xf32, #tpu.memory_space<hbm>>
    tpu.enqueue_indirect_dma source(%dma_start3A_63 : memref<1000000x64xf32, #tpu.memory_space<hbm>>) target(%dma_start3A_57 : memref<128x64xf32, #tpu.memory_space<vmem>>) offsets(%dma_start3A_60 : memref<128xi32, #tpu.memory_space<vmem>>) semaphore(%arg18 : memref<!tpu.dma_semaphore, #tpu.memory_space<semaphore_mem>>)
    %scan3A = arith.constant 0 : i32
    %scan3A_64 = arith.constant 0 : i32
    %scan3A_65 = arith.constant 8 : i32
    %scan3A_66 = arith.addi %scan3A_64, %scan3A_65 : i32
    %scan3A_67 = arith.constant 1 : i32
    scf.for %scan3A_69 = %scan3A_64 to %scan3A_66 step %scan3A_67  : i32 {
      %mul3A_70 = arith.constant 2 : i32
      %mul3A_71 = arith.muli %scan3A_69, %mul3A_70 : i32
      %add3A_72 = arith.constant 0 : i32
      %add3A_73 = arith.addi %mul3A_71, %add3A_72 : i32
      %add3A_74 = arith.constant 1 : i32
      %add3A_75 = arith.addi %add3A_73, %add3A_74 : i32
      %lt3A = arith.constant 16 : i32
      %lt3A_76 = arith.cmpi slt, %add3A_75, %lt3A : i32
      %convert_element_type3A = arith.extui %lt3A_76 : i1 to i32
      %cond3A = arith.constant 0 : i32
      %cond3A_77 = arith.cmpi ne, %convert_element_type3A, %cond3A : i32
      scf.if %cond3A_77 {
        %add3A_136 = arith.constant 1 : i32
        %add3A_137 = arith.addi %add3A_73, %add3A_136 : i32
        %mul3A_138 = arith.constant 32 : i32
        %mul3A_139 = arith.muli %add3A_137, %mul3A_138 : i32
        %dma_start3A_140 = tpu.memref_slice %arg8[%mul3A_139] : memref<512xi32, #tpu.memory_space<vmem>> -> memref<32xi32, #tpu.memory_space<vmem>>
        %dma_start3A_141 = arith.constant 0 : i32
        %dma_start3A_142 = arith.constant 0 : i32
        %dma_start3A_143 = tpu.memref_slice %arg5[%dma_start3A_141, %dma_start3A_142] : memref<1000000x64xf32, #tpu.memory_space<hbm>> -> memref<1000000x64xf32, #tpu.memory_space<hbm>>
        tpu.enqueue_indirect_dma source(%dma_start3A_143 : memref<1000000x64xf32, #tpu.memory_space<hbm>>) target(%arg12 : memref<32x64xf32, #tpu.memory_space<vmem>>) offsets(%dma_start3A_140 : memref<32xi32, #tpu.memory_space<vmem>>) semaphore(%arg19 : memref<!tpu.dma_semaphore, #tpu.memory_space<semaphore_mem>>)
        %mul3A_144 = arith.constant 32 : i32
        %mul3A_145 = arith.muli %add3A_137, %mul3A_144 : i32
        %dma_start3A_146 = tpu.memref_slice %arg9[%mul3A_145] : memref<512xi32, #tpu.memory_space<vmem>> -> memref<32xi32, #tpu.memory_space<vmem>>
        %dma_start3A_147 = arith.constant 0 : i32
        %dma_start3A_148 = arith.constant 0 : i32
        %dma_start3A_149 = tpu.memref_slice %arg6[%dma_start3A_147, %dma_start3A_148] : memref<1000000x64xf32, #tpu.memory_space<hbm>> -> memref<1000000x64xf32, #tpu.memory_space<hbm>>
        tpu.enqueue_indirect_dma source(%dma_start3A_149 : memref<1000000x64xf32, #tpu.memory_space<hbm>>) target(%arg14 : memref<32x64xf32, #tpu.memory_space<vmem>>) offsets(%dma_start3A_146 : memref<32xi32, #tpu.memory_space<vmem>>) semaphore(%arg19 : memref<!tpu.dma_semaphore, #tpu.memory_space<semaphore_mem>>)
        %mul3A_150 = arith.constant 5 : i32
        %mul3A_151 = arith.muli %add3A_137, %mul3A_150 : i32
        %add3A_152 = arith.constant 0 : i32
        %add3A_153 = arith.addi %mul3A_151, %add3A_152 : i32
        %dma_start3A_154 = arith.constant 0 : i32
        %dma_start3A_155 = arith.constant 0 : i32
        %dma_start3A_156 = tpu.memref_slice %arg16[%dma_start3A_154, %dma_start3A_155] : memref<640x64xf32, #tpu.memory_space<vmem>> -> memref<128x64xf32, #tpu.memory_space<vmem>>
        %dma_start3A_157 = arith.constant 0 : i32
        %dma_start3A_158 = tpu.memref_slice %arg10[%add3A_153, %dma_start3A_157] : memref<80x128xi32, #tpu.memory_space<vmem>> -> memref<1x128xi32, #tpu.memory_space<vmem>>
        %dma_start3A_159 = tpu.memref_squeeze %dma_start3A_158 : memref<1x128xi32, #tpu.memory_space<vmem>> -> memref<128xi32, #tpu.memory_space<vmem>>
        %dma_start3A_160 = arith.constant 0 : i32
        %dma_start3A_161 = arith.constant 0 : i32
        %dma_start3A_162 = tpu.memref_slice %arg6[%dma_start3A_160, %dma_start3A_161] : memref<1000000x64xf32, #tpu.memory_space<hbm>> -> memref<1000000x64xf32, #tpu.memory_space<hbm>>
        tpu.enqueue_indirect_dma source(%dma_start3A_162 : memref<1000000x64xf32, #tpu.memory_space<hbm>>) target(%dma_start3A_156 : memref<128x64xf32, #tpu.memory_space<vmem>>) offsets(%dma_start3A_159 : memref<128xi32, #tpu.memory_space<vmem>>) semaphore(%arg19 : memref<!tpu.dma_semaphore, #tpu.memory_space<semaphore_mem>>)
        %mul3A_163 = arith.constant 5 : i32
        %mul3A_164 = arith.muli %add3A_137, %mul3A_163 : i32
        %add3A_165 = arith.constant 1 : i32
        %add3A_166 = arith.addi %mul3A_164, %add3A_165 : i32
        %dma_start3A_167 = arith.constant 128 : i32
        %dma_start3A_168 = arith.constant 0 : i32
        %dma_start3A_169 = tpu.memref_slice %arg16[%dma_start3A_167, %dma_start3A_168] : memref<640x64xf32, #tpu.memory_space<vmem>> -> memref<128x64xf32, #tpu.memory_space<vmem>>
        %dma_start3A_170 = arith.constant 0 : i32
        %dma_start3A_171 = tpu.memref_slice %arg10[%add3A_166, %dma_start3A_170] : memref<80x128xi32, #tpu.memory_space<vmem>> -> memref<1x128xi32, #tpu.memory_space<vmem>>
        %dma_start3A_172 = tpu.memref_squeeze %dma_start3A_171 : memref<1x128xi32, #tpu.memory_space<vmem>> -> memref<128xi32, #tpu.memory_space<vmem>>
        %dma_start3A_173 = arith.constant 0 : i32
        %dma_start3A_174 = arith.constant 0 : i32
        %dma_start3A_175 = tpu.memref_slice %arg6[%dma_start3A_173, %dma_start3A_174] : memref<1000000x64xf32, #tpu.memory_space<hbm>> -> memref<1000000x64xf32, #tpu.memory_space<hbm>>
        tpu.enqueue_indirect_dma source(%dma_start3A_175 : memref<1000000x64xf32, #tpu.memory_space<hbm>>) target(%dma_start3A_169 : memref<128x64xf32, #tpu.memory_space<vmem>>) offsets(%dma_start3A_172 : memref<128xi32, #tpu.memory_space<vmem>>) semaphore(%arg19 : memref<!tpu.dma_semaphore, #tpu.memory_space<semaphore_mem>>)
        %mul3A_176 = arith.constant 5 : i32
        %mul3A_177 = arith.muli %add3A_137, %mul3A_176 : i32
        %add3A_178 = arith.constant 2 : i32
        %add3A_179 = arith.addi %mul3A_177, %add3A_178 : i32
        %dma_start3A_180 = arith.constant 256 : i32
        %dma_start3A_181 = arith.constant 0 : i32
        %dma_start3A_182 = tpu.memref_slice %arg16[%dma_start3A_180, %dma_start3A_181] : memref<640x64xf32, #tpu.memory_space<vmem>> -> memref<128x64xf32, #tpu.memory_space<vmem>>
        %dma_start3A_183 = arith.constant 0 : i32
        %dma_start3A_184 = tpu.memref_slice %arg10[%add3A_179, %dma_start3A_183] : memref<80x128xi32, #tpu.memory_space<vmem>> -> memref<1x128xi32, #tpu.memory_space<vmem>>
        %dma_start3A_185 = tpu.memref_squeeze %dma_start3A_184 : memref<1x128xi32, #tpu.memory_space<vmem>> -> memref<128xi32, #tpu.memory_space<vmem>>
        %dma_start3A_186 = arith.constant 0 : i32
        %dma_start3A_187 = arith.constant 0 : i32
        %dma_start3A_188 = tpu.memref_slice %arg6[%dma_start3A_186, %dma_start3A_187] : memref<1000000x64xf32, #tpu.memory_space<hbm>> -> memref<1000000x64xf32, #tpu.memory_space<hbm>>
        tpu.enqueue_indirect_dma source(%dma_start3A_188 : memref<1000000x64xf32, #tpu.memory_space<hbm>>) target(%dma_start3A_182 : memref<128x64xf32, #tpu.memory_space<vmem>>) offsets(%dma_start3A_185 : memref<128xi32, #tpu.memory_space<vmem>>) semaphore(%arg19 : memref<!tpu.dma_semaphore, #tpu.memory_space<semaphore_mem>>)
        %mul3A_189 = arith.constant 5 : i32
        %mul3A_190 = arith.muli %add3A_137, %mul3A_189 : i32
        %add3A_191 = arith.constant 3 : i32
        %add3A_192 = arith.addi %mul3A_190, %add3A_191 : i32
        %dma_start3A_193 = arith.constant 384 : i32
        %dma_start3A_194 = arith.constant 0 : i32
        %dma_start3A_195 = tpu.memref_slice %arg16[%dma_start3A_193, %dma_start3A_194] : memref<640x64xf32, #tpu.memory_space<vmem>> -> memref<128x64xf32, #tpu.memory_space<vmem>>
        %dma_start3A_196 = arith.constant 0 : i32
        %dma_start3A_197 = tpu.memref_slice %arg10[%add3A_192, %dma_start3A_196] : memref<80x128xi32, #tpu.memory_space<vmem>> -> memref<1x128xi32, #tpu.memory_space<vmem>>
        %dma_start3A_198 = tpu.memref_squeeze %dma_start3A_197 : memref<1x128xi32, #tpu.memory_space<vmem>> -> memref<128xi32, #tpu.memory_space<vmem>>
        %dma_start3A_199 = arith.constant 0 : i32
        %dma_start3A_200 = arith.constant 0 : i32
        %dma_start3A_201 = tpu.memref_slice %arg6[%dma_start3A_199, %dma_start3A_200] : memref<1000000x64xf32, #tpu.memory_space<hbm>> -> memref<1000000x64xf32, #tpu.memory_space<hbm>>
        tpu.enqueue_indirect_dma source(%dma_start3A_201 : memref<1000000x64xf32, #tpu.memory_space<hbm>>) target(%dma_start3A_195 : memref<128x64xf32, #tpu.memory_space<vmem>>) offsets(%dma_start3A_198 : memref<128xi32, #tpu.memory_space<vmem>>) semaphore(%arg19 : memref<!tpu.dma_semaphore, #tpu.memory_space<semaphore_mem>>)
        %mul3A_202 = arith.constant 5 : i32
        %mul3A_203 = arith.muli %add3A_137, %mul3A_202 : i32
        %add3A_204 = arith.constant 4 : i32
        %add3A_205 = arith.addi %mul3A_203, %add3A_204 : i32
        %dma_start3A_206 = arith.constant 512 : i32
        %dma_start3A_207 = arith.constant 0 : i32
        %dma_start3A_208 = tpu.memref_slice %arg16[%dma_start3A_206, %dma_start3A_207] : memref<640x64xf32, #tpu.memory_space<vmem>> -> memref<128x64xf32, #tpu.memory_space<vmem>>
        %dma_start3A_209 = arith.constant 0 : i32
        %dma_start3A_210 = tpu.memref_slice %arg10[%add3A_205, %dma_start3A_209] : memref<80x128xi32, #tpu.memory_space<vmem>> -> memref<1x128xi32, #tpu.memory_space<vmem>>
        %dma_start3A_211 = tpu.memref_squeeze %dma_start3A_210 : memref<1x128xi32, #tpu.memory_space<vmem>> -> memref<128xi32, #tpu.memory_space<vmem>>
        %dma_start3A_212 = arith.constant 0 : i32
        %dma_start3A_213 = arith.constant 0 : i32
        %dma_start3A_214 = tpu.memref_slice %arg6[%dma_start3A_212, %dma_start3A_213] : memref<1000000x64xf32, #tpu.memory_space<hbm>> -> memref<1000000x64xf32, #tpu.memory_space<hbm>>
        tpu.enqueue_indirect_dma source(%dma_start3A_214 : memref<1000000x64xf32, #tpu.memory_space<hbm>>) target(%dma_start3A_208 : memref<128x64xf32, #tpu.memory_space<vmem>>) offsets(%dma_start3A_211 : memref<128xi32, #tpu.memory_space<vmem>>) semaphore(%arg19 : memref<!tpu.dma_semaphore, #tpu.memory_space<semaphore_mem>>)
      } else {
      }
      %dma_wait3A = arith.constant 0 : i32
      %dma_wait3A_78 = arith.constant 0 : i32
      %dma_wait3A_79 = tpu.memref_slice %arg5[%dma_wait3A, %dma_wait3A_78] : memref<1000000x64xf32, #tpu.memory_space<hbm>> -> memref<32x64xf32, #tpu.memory_space<hbm>>
      %dma_wait3A_80 = arith.constant 0 : i32
      %dma_wait3A_81 = arith.constant 0 : i32
      %dma_wait3A_82 = tpu.memref_slice %arg5[%dma_wait3A_80, %dma_wait3A_81] : memref<1000000x64xf32, #tpu.memory_space<hbm>> -> memref<32x64xf32, #tpu.memory_space<hbm>>
      tpu.wait_dma2 semaphore(%arg18 : memref<!tpu.dma_semaphore, #tpu.memory_space<semaphore_mem>>) src(%dma_wait3A_82 : memref<32x64xf32, #tpu.memory_space<hbm>>) dst(%arg11 : memref<32x64xf32, #tpu.memory_space<vmem>>)
      %dma_wait3A_83 = arith.constant 0 : i32
      %dma_wait3A_84 = arith.constant 0 : i32
      %dma_wait3A_85 = tpu.memref_slice %arg6[%dma_wait3A_83, %dma_wait3A_84] : memref<1000000x64xf32, #tpu.memory_space<hbm>> -> memref<32x64xf32, #tpu.memory_space<hbm>>
      %dma_wait3A_86 = arith.constant 0 : i32
      %dma_wait3A_87 = arith.constant 0 : i32
      %dma_wait3A_88 = tpu.memref_slice %arg6[%dma_wait3A_86, %dma_wait3A_87] : memref<1000000x64xf32, #tpu.memory_space<hbm>> -> memref<32x64xf32, #tpu.memory_space<hbm>>
      tpu.wait_dma2 semaphore(%arg18 : memref<!tpu.dma_semaphore, #tpu.memory_space<semaphore_mem>>) src(%dma_wait3A_88 : memref<32x64xf32, #tpu.memory_space<hbm>>) dst(%arg13 : memref<32x64xf32, #tpu.memory_space<vmem>>)
      %dma_wait3A_89 = arith.constant 0 : i32
      %dma_wait3A_90 = arith.constant 0 : i32
      %dma_wait3A_91 = tpu.memref_slice %arg6[%dma_wait3A_89, %dma_wait3A_90] : memref<1000000x64xf32, #tpu.memory_space<hbm>> -> memref<640x64xf32, #tpu.memory_space<hbm>>
      %dma_wait3A_92 = arith.constant 0 : i32
      %dma_wait3A_93 = arith.constant 0 : i32
      %dma_wait3A_94 = tpu.memref_slice %arg6[%dma_wait3A_92, %dma_wait3A_93] : memref<1000000x64xf32, #tpu.memory_space<hbm>> -> memref<640x64xf32, #tpu.memory_space<hbm>>
      tpu.wait_dma2 semaphore(%arg18 : memref<!tpu.dma_semaphore, #tpu.memory_space<semaphore_mem>>) src(%dma_wait3A_94 : memref<640x64xf32, #tpu.memory_space<hbm>>) dst(%arg15 : memref<640x64xf32, #tpu.memory_space<vmem>>)
      %scan3A_95 = arith.constant 0 : i32
      %scan3A_96 = arith.constant 0 : i32
      %scan3A_97 = arith.constant 32 : i32
      %scan3A_98 = arith.addi %scan3A_96, %scan3A_97 : i32
      %scan3A_99 = arith.constant 1 : i32
      scf.for %scan3A_136 = %scan3A_96 to %scan3A_98 step %scan3A_99  : i32 {
        %get3A = arith.index_cast %scan3A_136 : i32 to index
        %get3A_137 = arith.constant 0 : index
        %get3A_138 = tpu.vector_load %arg11[%get3A, %get3A_137] {strides = array<i32>} : memref<32x64xf32, #tpu.memory_space<vmem>>, vector<1x16xf32>,
        %get3A_139 = vector.shape_cast %get3A_138 : vector<1x16xf32> to vector<16xf32>
        %get3A_140 = arith.index_cast %scan3A_136 : i32 to index
        %get3A_141 = arith.constant 16 : index
        %get3A_142 = tpu.vector_load %arg11[%get3A_140, %get3A_141] {strides = array<i32>} : memref<32x64xf32, #tpu.memory_space<vmem>>, vector<1x16xf32>,
        %get3A_143 = vector.shape_cast %get3A_142 : vector<1x16xf32> to vector<16xf32>
        %get3A_144 = arith.index_cast %scan3A_136 : i32 to index
        %get3A_145 = arith.constant 32 : index
        %get3A_146 = tpu.vector_load %arg11[%get3A_144, %get3A_145] {strides = array<i32>} : memref<32x64xf32, #tpu.memory_space<vmem>>, vector<1x16xf32>,
        %get3A_147 = vector.shape_cast %get3A_146 : vector<1x16xf32> to vector<16xf32>
        %get3A_148 = arith.index_cast %scan3A_136 : i32 to index
        %get3A_149 = arith.constant 48 : index
        %get3A_150 = tpu.vector_load %arg11[%get3A_148, %get3A_149] {strides = array<i32>} : memref<32x64xf32, #tpu.memory_space<vmem>>, vector<1x16xf32>,
        %get3A_151 = vector.shape_cast %get3A_150 : vector<1x16xf32> to vector<16xf32>
        %get3A_152 = arith.index_cast %scan3A_136 : i32 to index
        %get3A_153 = arith.constant 0 : index
        %get3A_154 = tpu.vector_load %arg13[%get3A_152, %get3A_153] {strides = array<i32>} : memref<32x64xf32, #tpu.memory_space<vmem>>, vector<1x16xf32>,
        %get3A_155 = vector.shape_cast %get3A_154 : vector<1x16xf32> to vector<16xf32>
        %mul3A_156 = arith.mulf %get3A_139, %get3A_155 : vector<16xf32>
        %get3A_157 = arith.index_cast %scan3A_136 : i32 to index
        %get3A_158 = arith.constant 16 : index
        %get3A_159 = tpu.vector_load %arg13[%get3A_157, %get3A_158] {strides = array<i32>} : memref<32x64xf32, #tpu.memory_space<vmem>>, vector<1x16xf32>,
        %get3A_160 = vector.shape_cast %get3A_159 : vector<1x16xf32> to vector<16xf32>
        %mul3A_161 = arith.mulf %get3A_143, %get3A_160 : vector<16xf32>
        %add3A_162 = arith.addf %mul3A_156, %mul3A_161 : vector<16xf32>
        %get3A_163 = arith.index_cast %scan3A_136 : i32 to index
        %get3A_164 = arith.constant 32 : index
        %get3A_165 = tpu.vector_load %arg13[%get3A_163, %get3A_164] {strides = array<i32>} : memref<32x64xf32, #tpu.memory_space<vmem>>, vector<1x16xf32>,
        %get3A_166 = vector.shape_cast %get3A_165 : vector<1x16xf32> to vector<16xf32>
        %mul3A_167 = arith.mulf %get3A_147, %get3A_166 : vector<16xf32>
        %add3A_168 = arith.addf %add3A_162, %mul3A_167 : vector<16xf32>
        %get3A_169 = arith.index_cast %scan3A_136 : i32 to index
        %get3A_170 = arith.constant 48 : index
        %get3A_171 = tpu.vector_load %arg13[%get3A_169, %get3A_170] {strides = array<i32>} : memref<32x64xf32, #tpu.memory_space<vmem>>, vector<1x16xf32>,
        %get3A_172 = vector.shape_cast %get3A_171 : vector<1x16xf32> to vector<16xf32>
        %mul3A_173 = arith.mulf %get3A_151, %get3A_172 : vector<16xf32>
        %add3A_174 = arith.addf %add3A_168, %mul3A_173 : vector<16xf32>
        %mul3A_175 = arith.constant 20 : i32
        %mul3A_176 = arith.muli %scan3A_136, %mul3A_175 : i32
        %get3A_177 = arith.index_cast %mul3A_176 : i32 to index
        %get3A_178 = arith.constant 0 : index
        %get3A_179 = tpu.vector_load %arg15[%get3A_177, %get3A_178] {strides = array<i32>} : memref<640x64xf32, #tpu.memory_space<vmem>>, vector<1x16xf32>,
        %get3A_180 = vector.shape_cast %get3A_179 : vector<1x16xf32> to vector<16xf32>
        %mul3A_181 = arith.constant 20 : i32
        %mul3A_182 = arith.muli %scan3A_136, %mul3A_181 : i32
        %add3A_183 = arith.constant 1 : i32
        %add3A_184 = arith.addi %mul3A_182, %add3A_183 : i32
        %get3A_185 = arith.index_cast %add3A_184 : i32 to index
        %get3A_186 = arith.constant 0 : index
        %get3A_187 = tpu.vector_load %arg15[%get3A_185, %get3A_186] {strides = array<i32>} : memref<640x64xf32, #tpu.memory_space<vmem>>, vector<1x16xf32>,
        %get3A_188 = vector.shape_cast %get3A_187 : vector<1x16xf32> to vector<16xf32>
        %add3A_189 = arith.addf %get3A_180, %get3A_188 : vector<16xf32>
        %mul3A_190 = arith.constant 20 : i32
        %mul3A_191 = arith.muli %scan3A_136, %mul3A_190 : i32
        %add3A_192 = arith.constant 2 : i32
        %add3A_193 = arith.addi %mul3A_191, %add3A_192 : i32
        %get3A_194 = arith.index_cast %add3A_193 : i32 to index
        %get3A_195 = arith.constant 0 : index
        %get3A_196 = tpu.vector_load %arg15[%get3A_194, %get3A_195] {strides = array<i32>} : memref<640x64xf32, #tpu.memory_space<vmem>>, vector<1x16xf32>,
        %get3A_197 = vector.shape_cast %get3A_196 : vector<1x16xf32> to vector<16xf32>
        %add3A_198 = arith.addf %add3A_189, %get3A_197 : vector<16xf32>
        %mul3A_199 = arith.constant 20 : i32
        %mul3A_200 = arith.muli %scan3A_136, %mul3A_199 : i32
        %add3A_201 = arith.constant 3 : i32
        %add3A_202 = arith.addi %mul3A_200, %add3A_201 : i32
        %get3A_203 = arith.index_cast %add3A_202 : i32 to index
        %get3A_204 = arith.constant 0 : index
        %get3A_205 = tpu.vector_load %arg15[%get3A_203, %get3A_204] {strides = array<i32>} : memref<640x64xf32, #tpu.memory_space<vmem>>, vector<1x16xf32>,
        %get3A_206 = vector.shape_cast %get3A_205 : vector<1x16xf32> to vector<16xf32>
        %add3A_207 = arith.addf %add3A_198, %get3A_206 : vector<16xf32>
        %mul3A_208 = arith.constant 20 : i32
        %mul3A_209 = arith.muli %scan3A_136, %mul3A_208 : i32
        %add3A_210 = arith.constant 4 : i32
        %add3A_211 = arith.addi %mul3A_209, %add3A_210 : i32
        %get3A_212 = arith.index_cast %add3A_211 : i32 to index
        %get3A_213 = arith.constant 0 : index
        %get3A_214 = tpu.vector_load %arg15[%get3A_212, %get3A_213] {strides = array<i32>} : memref<640x64xf32, #tpu.memory_space<vmem>>, vector<1x16xf32>,
        %get3A_215 = vector.shape_cast %get3A_214 : vector<1x16xf32> to vector<16xf32>
        %add3A_216 = arith.addf %add3A_207, %get3A_215 : vector<16xf32>
        %mul3A_217 = arith.constant 20 : i32
        %mul3A_218 = arith.muli %scan3A_136, %mul3A_217 : i32
        %add3A_219 = arith.constant 5 : i32
        %add3A_220 = arith.addi %mul3A_218, %add3A_219 : i32
        %get3A_221 = arith.index_cast %add3A_220 : i32 to index
        %get3A_222 = arith.constant 0 : index
        %get3A_223 = tpu.vector_load %arg15[%get3A_221, %get3A_222] {strides = array<i32>} : memref<640x64xf32, #tpu.memory_space<vmem>>, vector<1x16xf32>,
        %get3A_224 = vector.shape_cast %get3A_223 : vector<1x16xf32> to vector<16xf32>
        %add3A_225 = arith.addf %add3A_216, %get3A_224 : vector<16xf32>
        %mul3A_226 = arith.constant 20 : i32
        %mul3A_227 = arith.muli %scan3A_136, %mul3A_226 : i32
        %add3A_228 = arith.constant 6 : i32
        %add3A_229 = arith.addi %mul3A_227, %add3A_228 : i32
        %get3A_230 = arith.index_cast %add3A_229 : i32 to index
        %get3A_231 = arith.constant 0 : index
        %get3A_232 = tpu.vector_load %arg15[%get3A_230, %get3A_231] {strides = array<i32>} : memref<640x64xf32, #tpu.memory_space<vmem>>, vector<1x16xf32>,
        %get3A_233 = vector.shape_cast %get3A_232 : vector<1x16xf32> to vector<16xf32>
        %add3A_234 = arith.addf %add3A_225, %get3A_233 : vector<16xf32>
        %mul3A_235 = arith.constant 20 : i32
        %mul3A_236 = arith.muli %scan3A_136, %mul3A_235 : i32
        %add3A_237 = arith.constant 7 : i32
        %add3A_238 = arith.addi %mul3A_236, %add3A_237 : i32
        %get3A_239 = arith.index_cast %add3A_238 : i32 to index
        %get3A_240 = arith.constant 0 : index
        %get3A_241 = tpu.vector_load %arg15[%get3A_239, %get3A_240] {strides = array<i32>} : memref<640x64xf32, #tpu.memory_space<vmem>>, vector<1x16xf32>,
        %get3A_242 = vector.shape_cast %get3A_241 : vector<1x16xf32> to vector<16xf32>
        %add3A_243 = arith.addf %add3A_234, %get3A_242 : vector<16xf32>
        %mul3A_244 = arith.constant 20 : i32
        %mul3A_245 = arith.muli %scan3A_136, %mul3A_244 : i32
        %add3A_246 = arith.constant 8 : i32
        %add3A_247 = arith.addi %mul3A_245, %add3A_246 : i32
        %get3A_248 = arith.index_cast %add3A_247 : i32 to index
        %get3A_249 = arith.constant 0 : index
        %get3A_250 = tpu.vector_load %arg15[%get3A_248, %get3A_249] {strides = array<i32>} : memref<640x64xf32, #tpu.memory_space<vmem>>, vector<1x16xf32>,
        %get3A_251 = vector.shape_cast %get3A_250 : vector<1x16xf32> to vector<16xf32>
        %add3A_252 = arith.addf %add3A_243, %get3A_251 : vector<16xf32>
        %mul3A_253 = arith.constant 20 : i32
        %mul3A_254 = arith.muli %scan3A_136, %mul3A_253 : i32
        %add3A_255 = arith.constant 9 : i32
        %add3A_256 = arith.addi %mul3A_254, %add3A_255 : i32
        %get3A_257 = arith.index_cast %add3A_256 : i32 to index
        %get3A_258 = arith.constant 0 : index
        %get3A_259 = tpu.vector_load %arg15[%get3A_257, %get3A_258] {strides = array<i32>} : memref<640x64xf32, #tpu.memory_space<vmem>>, vector<1x16xf32>,
        %get3A_260 = vector.shape_cast %get3A_259 : vector<1x16xf32> to vector<16xf32>
        %add3A_261 = arith.addf %add3A_252, %get3A_260 : vector<16xf32>
        %mul3A_262 = arith.constant 20 : i32
        %mul3A_263 = arith.muli %scan3A_136, %mul3A_262 : i32
        %add3A_264 = arith.constant 10 : i32
        %add3A_265 = arith.addi %mul3A_263, %add3A_264 : i32
        %get3A_266 = arith.index_cast %add3A_265 : i32 to index
        %get3A_267 = arith.constant 0 : index
        %get3A_268 = tpu.vector_load %arg15[%get3A_266, %get3A_267] {strides = array<i32>} : memref<640x64xf32, #tpu.memory_space<vmem>>, vector<1x16xf32>,
        %get3A_269 = vector.shape_cast %get3A_268 : vector<1x16xf32> to vector<16xf32>
        %add3A_270 = arith.addf %add3A_261, %get3A_269 : vector<16xf32>
        %mul3A_271 = arith.constant 20 : i32
        %mul3A_272 = arith.muli %scan3A_136, %mul3A_271 : i32
        %add3A_273 = arith.constant 11 : i32
        %add3A_274 = arith.addi %mul3A_272, %add3A_273 : i32
        %get3A_275 = arith.index_cast %add3A_274 : i32 to index
        %get3A_276 = arith.constant 0 : index
        %get3A_277 = tpu.vector_load %arg15[%get3A_275, %get3A_276] {strides = array<i32>} : memref<640x64xf32, #tpu.memory_space<vmem>>, vector<1x16xf32>,
        %get3A_278 = vector.shape_cast %get3A_277 : vector<1x16xf32> to vector<16xf32>
        %add3A_279 = arith.addf %add3A_270, %get3A_278 : vector<16xf32>
        %mul3A_280 = arith.constant 20 : i32
        %mul3A_281 = arith.muli %scan3A_136, %mul3A_280 : i32
        %add3A_282 = arith.constant 12 : i32
        %add3A_283 = arith.addi %mul3A_281, %add3A_282 : i32
        %get3A_284 = arith.index_cast %add3A_283 : i32 to index
        %get3A_285 = arith.constant 0 : index
        %get3A_286 = tpu.vector_load %arg15[%get3A_284, %get3A_285] {strides = array<i32>} : memref<640x64xf32, #tpu.memory_space<vmem>>, vector<1x16xf32>,
        %get3A_287 = vector.shape_cast %get3A_286 : vector<1x16xf32> to vector<16xf32>
        %add3A_288 = arith.addf %add3A_279, %get3A_287 : vector<16xf32>
        %mul3A_289 = arith.constant 20 : i32
        %mul3A_290 = arith.muli %scan3A_136, %mul3A_289 : i32
        %add3A_291 = arith.constant 13 : i32
        %add3A_292 = arith.addi %mul3A_290, %add3A_291 : i32
        %get3A_293 = arith.index_cast %add3A_292 : i32 to index
        %get3A_294 = arith.constant 0 : index
        %get3A_295 = tpu.vector_load %arg15[%get3A_293, %get3A_294] {strides = array<i32>} : memref<640x64xf32, #tpu.memory_space<vmem>>, vector<1x16xf32>,
        %get3A_296 = vector.shape_cast %get3A_295 : vector<1x16xf32> to vector<16xf32>
        %add3A_297 = arith.addf %add3A_288, %get3A_296 : vector<16xf32>
        %mul3A_298 = arith.constant 20 : i32
        %mul3A_299 = arith.muli %scan3A_136, %mul3A_298 : i32
        %add3A_300 = arith.constant 14 : i32
        %add3A_301 = arith.addi %mul3A_299, %add3A_300 : i32
        %get3A_302 = arith.index_cast %add3A_301 : i32 to index
        %get3A_303 = arith.constant 0 : index
        %get3A_304 = tpu.vector_load %arg15[%get3A_302, %get3A_303] {strides = array<i32>} : memref<640x64xf32, #tpu.memory_space<vmem>>, vector<1x16xf32>,
        %get3A_305 = vector.shape_cast %get3A_304 : vector<1x16xf32> to vector<16xf32>
        %add3A_306 = arith.addf %add3A_297, %get3A_305 : vector<16xf32>
        %mul3A_307 = arith.constant 20 : i32
        %mul3A_308 = arith.muli %scan3A_136, %mul3A_307 : i32
        %add3A_309 = arith.constant 15 : i32
        %add3A_310 = arith.addi %mul3A_308, %add3A_309 : i32
        %get3A_311 = arith.index_cast %add3A_310 : i32 to index
        %get3A_312 = arith.constant 0 : index
        %get3A_313 = tpu.vector_load %arg15[%get3A_311, %get3A_312] {strides = array<i32>} : memref<640x64xf32, #tpu.memory_space<vmem>>, vector<1x16xf32>,
        %get3A_314 = vector.shape_cast %get3A_313 : vector<1x16xf32> to vector<16xf32>
        %add3A_315 = arith.addf %add3A_306, %get3A_314 : vector<16xf32>
        %mul3A_316 = arith.constant 20 : i32
        %mul3A_317 = arith.muli %scan3A_136, %mul3A_316 : i32
        %add3A_318 = arith.constant 16 : i32
        %add3A_319 = arith.addi %mul3A_317, %add3A_318 : i32
        %get3A_320 = arith.index_cast %add3A_319 : i32 to index
        %get3A_321 = arith.constant 0 : index
        %get3A_322 = tpu.vector_load %arg15[%get3A_320, %get3A_321] {strides = array<i32>} : memref<640x64xf32, #tpu.memory_space<vmem>>, vector<1x16xf32>,
        %get3A_323 = vector.shape_cast %get3A_322 : vector<1x16xf32> to vector<16xf32>
        %add3A_324 = arith.addf %add3A_315, %get3A_323 : vector<16xf32>
        %mul3A_325 = arith.constant 20 : i32
        %mul3A_326 = arith.muli %scan3A_136, %mul3A_325 : i32
        %add3A_327 = arith.constant 17 : i32
        %add3A_328 = arith.addi %mul3A_326, %add3A_327 : i32
        %get3A_329 = arith.index_cast %add3A_328 : i32 to index
        %get3A_330 = arith.constant 0 : index
        %get3A_331 = tpu.vector_load %arg15[%get3A_329, %get3A_330] {strides = array<i32>} : memref<640x64xf32, #tpu.memory_space<vmem>>, vector<1x16xf32>,
        %get3A_332 = vector.shape_cast %get3A_331 : vector<1x16xf32> to vector<16xf32>
        %add3A_333 = arith.addf %add3A_324, %get3A_332 : vector<16xf32>
        %mul3A_334 = arith.constant 20 : i32
        %mul3A_335 = arith.muli %scan3A_136, %mul3A_334 : i32
        %add3A_336 = arith.constant 18 : i32
        %add3A_337 = arith.addi %mul3A_335, %add3A_336 : i32
        %get3A_338 = arith.index_cast %add3A_337 : i32 to index
        %get3A_339 = arith.constant 0 : index
        %get3A_340 = tpu.vector_load %arg15[%get3A_338, %get3A_339] {strides = array<i32>} : memref<640x64xf32, #tpu.memory_space<vmem>>, vector<1x16xf32>,
        %get3A_341 = vector.shape_cast %get3A_340 : vector<1x16xf32> to vector<16xf32>
        %add3A_342 = arith.addf %add3A_333, %get3A_341 : vector<16xf32>
        %mul3A_343 = arith.constant 20 : i32
        %mul3A_344 = arith.muli %scan3A_136, %mul3A_343 : i32
        %add3A_345 = arith.constant 19 : i32
        %add3A_346 = arith.addi %mul3A_344, %add3A_345 : i32
        %get3A_347 = arith.index_cast %add3A_346 : i32 to index
        %get3A_348 = arith.constant 0 : index
        %get3A_349 = tpu.vector_load %arg15[%get3A_347, %get3A_348] {strides = array<i32>} : memref<640x64xf32, #tpu.memory_space<vmem>>, vector<1x16xf32>,
        %get3A_350 = vector.shape_cast %get3A_349 : vector<1x16xf32> to vector<16xf32>
        %add3A_351 = arith.addf %add3A_342, %get3A_350 : vector<16xf32>
        %mul3A_352 = arith.mulf %add3A_351, %get3A_139 : vector<16xf32>
        %mul3A_353 = arith.constant 20 : i32
        %mul3A_354 = arith.muli %scan3A_136, %mul3A_353 : i32
        %get3A_355 = arith.index_cast %mul3A_354 : i32 to index
        %get3A_356 = arith.constant 16 : index
        %get3A_357 = tpu.vector_load %arg15[%get3A_355, %get3A_356] {strides = array<i32>} : memref<640x64xf32, #tpu.memory_space<vmem>>, vector<1x16xf32>,
        %get3A_358 = vector.shape_cast %get3A_357 : vector<1x16xf32> to vector<16xf32>
        %mul3A_359 = arith.constant 20 : i32
        %mul3A_360 = arith.muli %scan3A_136, %mul3A_359 : i32
        %add3A_361 = arith.constant 1 : i32
        %add3A_362 = arith.addi %mul3A_360, %add3A_361 : i32
        %get3A_363 = arith.index_cast %add3A_362 : i32 to index
        %get3A_364 = arith.constant 16 : index
        %get3A_365 = tpu.vector_load %arg15[%get3A_363, %get3A_364] {strides = array<i32>} : memref<640x64xf32, #tpu.memory_space<vmem>>, vector<1x16xf32>,
        %get3A_366 = vector.shape_cast %get3A_365 : vector<1x16xf32> to vector<16xf32>
        %add3A_367 = arith.addf %get3A_358, %get3A_366 : vector<16xf32>
        %mul3A_368 = arith.constant 20 : i32
        %mul3A_369 = arith.muli %scan3A_136, %mul3A_368 : i32
        %add3A_370 = arith.constant 2 : i32
        %add3A_371 = arith.addi %mul3A_369, %add3A_370 : i32
        %get3A_372 = arith.index_cast %add3A_371 : i32 to index
        %get3A_373 = arith.constant 16 : index
        %get3A_374 = tpu.vector_load %arg15[%get3A_372, %get3A_373] {strides = array<i32>} : memref<640x64xf32, #tpu.memory_space<vmem>>, vector<1x16xf32>,
        %get3A_375 = vector.shape_cast %get3A_374 : vector<1x16xf32> to vector<16xf32>
        %add3A_376 = arith.addf %add3A_367, %get3A_375 : vector<16xf32>
        %mul3A_377 = arith.constant 20 : i32
        %mul3A_378 = arith.muli %scan3A_136, %mul3A_377 : i32
        %add3A_379 = arith.constant 3 : i32
        %add3A_380 = arith.addi %mul3A_378, %add3A_379 : i32
        %get3A_381 = arith.index_cast %add3A_380 : i32 to index
        %get3A_382 = arith.constant 16 : index
        %get3A_383 = tpu.vector_load %arg15[%get3A_381, %get3A_382] {strides = array<i32>} : memref<640x64xf32, #tpu.memory_space<vmem>>, vector<1x16xf32>,
        %get3A_384 = vector.shape_cast %get3A_383 : vector<1x16xf32> to vector<16xf32>
        %add3A_385 = arith.addf %add3A_376, %get3A_384 : vector<16xf32>
        %mul3A_386 = arith.constant 20 : i32
        %mul3A_387 = arith.muli %scan3A_136, %mul3A_386 : i32
        %add3A_388 = arith.constant 4 : i32
        %add3A_389 = arith.addi %mul3A_387, %add3A_388 : i32
        %get3A_390 = arith.index_cast %add3A_389 : i32 to index
        %get3A_391 = arith.constant 16 : index
        %get3A_392 = tpu.vector_load %arg15[%get3A_390, %get3A_391] {strides = array<i32>} : memref<640x64xf32, #tpu.memory_space<vmem>>, vector<1x16xf32>,
        %get3A_393 = vector.shape_cast %get3A_392 : vector<1x16xf32> to vector<16xf32>
        %add3A_394 = arith.addf %add3A_385, %get3A_393 : vector<16xf32>
        %mul3A_395 = arith.constant 20 : i32
        %mul3A_396 = arith.muli %scan3A_136, %mul3A_395 : i32
        %add3A_397 = arith.constant 5 : i32
        %add3A_398 = arith.addi %mul3A_396, %add3A_397 : i32
        %get3A_399 = arith.index_cast %add3A_398 : i32 to index
        %get3A_400 = arith.constant 16 : index
        %get3A_401 = tpu.vector_load %arg15[%get3A_399, %get3A_400] {strides = array<i32>} : memref<640x64xf32, #tpu.memory_space<vmem>>, vector<1x16xf32>,
        %get3A_402 = vector.shape_cast %get3A_401 : vector<1x16xf32> to vector<16xf32>
        %add3A_403 = arith.addf %add3A_394, %get3A_402 : vector<16xf32>
        %mul3A_404 = arith.constant 20 : i32
        %mul3A_405 = arith.muli %scan3A_136, %mul3A_404 : i32
        %add3A_406 = arith.constant 6 : i32
        %add3A_407 = arith.addi %mul3A_405, %add3A_406 : i32
        %get3A_408 = arith.index_cast %add3A_407 : i32 to index
        %get3A_409 = arith.constant 16 : index
        %get3A_410 = tpu.vector_load %arg15[%get3A_408, %get3A_409] {strides = array<i32>} : memref<640x64xf32, #tpu.memory_space<vmem>>, vector<1x16xf32>,
        %get3A_411 = vector.shape_cast %get3A_410 : vector<1x16xf32> to vector<16xf32>
        %add3A_412 = arith.addf %add3A_403, %get3A_411 : vector<16xf32>
        %mul3A_413 = arith.constant 20 : i32
        %mul3A_414 = arith.muli %scan3A_136, %mul3A_413 : i32
        %add3A_415 = arith.constant 7 : i32
        %add3A_416 = arith.addi %mul3A_414, %add3A_415 : i32
        %get3A_417 = arith.index_cast %add3A_416 : i32 to index
        %get3A_418 = arith.constant 16 : index
        %get3A_419 = tpu.vector_load %arg15[%get3A_417, %get3A_418] {strides = array<i32>} : memref<640x64xf32, #tpu.memory_space<vmem>>, vector<1x16xf32>,
        %get3A_420 = vector.shape_cast %get3A_419 : vector<1x16xf32> to vector<16xf32>
        %add3A_421 = arith.addf %add3A_412, %get3A_420 : vector<16xf32>
        %mul3A_422 = arith.constant 20 : i32
        %mul3A_423 = arith.muli %scan3A_136, %mul3A_422 : i32
        %add3A_424 = arith.constant 8 : i32
        %add3A_425 = arith.addi %mul3A_423, %add3A_424 : i32
        %get3A_426 = arith.index_cast %add3A_425 : i32 to index
        %get3A_427 = arith.constant 16 : index
        %get3A_428 = tpu.vector_load %arg15[%get3A_426, %get3A_427] {strides = array<i32>} : memref<640x64xf32, #tpu.memory_space<vmem>>, vector<1x16xf32>,
        %get3A_429 = vector.shape_cast %get3A_428 : vector<1x16xf32> to vector<16xf32>
        %add3A_430 = arith.addf %add3A_421, %get3A_429 : vector<16xf32>
        %mul3A_431 = arith.constant 20 : i32
        %mul3A_432 = arith.muli %scan3A_136, %mul3A_431 : i32
        %add3A_433 = arith.constant 9 : i32
        %add3A_434 = arith.addi %mul3A_432, %add3A_433 : i32
        %get3A_435 = arith.index_cast %add3A_434 : i32 to index
        %get3A_436 = arith.constant 16 : index
        %get3A_437 = tpu.vector_load %arg15[%get3A_435, %get3A_436] {strides = array<i32>} : memref<640x64xf32, #tpu.memory_space<vmem>>, vector<1x16xf32>,
        %get3A_438 = vector.shape_cast %get3A_437 : vector<1x16xf32> to vector<16xf32>
        %add3A_439 = arith.addf %add3A_430, %get3A_438 : vector<16xf32>
        %mul3A_440 = arith.constant 20 : i32
        %mul3A_441 = arith.muli %scan3A_136, %mul3A_440 : i32
        %add3A_442 = arith.constant 10 : i32
        %add3A_443 = arith.addi %mul3A_441, %add3A_442 : i32
        %get3A_444 = arith.index_cast %add3A_443 : i32 to index
        %get3A_445 = arith.constant 16 : index
        %get3A_446 = tpu.vector_load %arg15[%get3A_444, %get3A_445] {strides = array<i32>} : memref<640x64xf32, #tpu.memory_space<vmem>>, vector<1x16xf32>,
        %get3A_447 = vector.shape_cast %get3A_446 : vector<1x16xf32> to vector<16xf32>
        %add3A_448 = arith.addf %add3A_439, %get3A_447 : vector<16xf32>
        %mul3A_449 = arith.constant 20 : i32
        %mul3A_450 = arith.muli %scan3A_136, %mul3A_449 : i32
        %add3A_451 = arith.constant 11 : i32
        %add3A_452 = arith.addi %mul3A_450, %add3A_451 : i32
        %get3A_453 = arith.index_cast %add3A_452 : i32 to index
        %get3A_454 = arith.constant 16 : index
        %get3A_455 = tpu.vector_load %arg15[%get3A_453, %get3A_454] {strides = array<i32>} : memref<640x64xf32, #tpu.memory_space<vmem>>, vector<1x16xf32>,
        %get3A_456 = vector.shape_cast %get3A_455 : vector<1x16xf32> to vector<16xf32>
        %add3A_457 = arith.addf %add3A_448, %get3A_456 : vector<16xf32>
        %mul3A_458 = arith.constant 20 : i32
        %mul3A_459 = arith.muli %scan3A_136, %mul3A_458 : i32
        %add3A_460 = arith.constant 12 : i32
        %add3A_461 = arith.addi %mul3A_459, %add3A_460 : i32
        %get3A_462 = arith.index_cast %add3A_461 : i32 to index
        %get3A_463 = arith.constant 16 : index
        %get3A_464 = tpu.vector_load %arg15[%get3A_462, %get3A_463] {strides = array<i32>} : memref<640x64xf32, #tpu.memory_space<vmem>>, vector<1x16xf32>,
        %get3A_465 = vector.shape_cast %get3A_464 : vector<1x16xf32> to vector<16xf32>
        %add3A_466 = arith.addf %add3A_457, %get3A_465 : vector<16xf32>
        %mul3A_467 = arith.constant 20 : i32
        %mul3A_468 = arith.muli %scan3A_136, %mul3A_467 : i32
        %add3A_469 = arith.constant 13 : i32
        %add3A_470 = arith.addi %mul3A_468, %add3A_469 : i32
        %get3A_471 = arith.index_cast %add3A_470 : i32 to index
        %get3A_472 = arith.constant 16 : index
        %get3A_473 = tpu.vector_load %arg15[%get3A_471, %get3A_472] {strides = array<i32>} : memref<640x64xf32, #tpu.memory_space<vmem>>, vector<1x16xf32>,
        %get3A_474 = vector.shape_cast %get3A_473 : vector<1x16xf32> to vector<16xf32>
        %add3A_475 = arith.addf %add3A_466, %get3A_474 : vector<16xf32>
        %mul3A_476 = arith.constant 20 : i32
        %mul3A_477 = arith.muli %scan3A_136, %mul3A_476 : i32
        %add3A_478 = arith.constant 14 : i32
        %add3A_479 = arith.addi %mul3A_477, %add3A_478 : i32
        %get3A_480 = arith.index_cast %add3A_479 : i32 to index
        %get3A_481 = arith.constant 16 : index
        %get3A_482 = tpu.vector_load %arg15[%get3A_480, %get3A_481] {strides = array<i32>} : memref<640x64xf32, #tpu.memory_space<vmem>>, vector<1x16xf32>,
        %get3A_483 = vector.shape_cast %get3A_482 : vector<1x16xf32> to vector<16xf32>
        %add3A_484 = arith.addf %add3A_475, %get3A_483 : vector<16xf32>
        %mul3A_485 = arith.constant 20 : i32
        %mul3A_486 = arith.muli %scan3A_136, %mul3A_485 : i32
        %add3A_487 = arith.constant 15 : i32
        %add3A_488 = arith.addi %mul3A_486, %add3A_487 : i32
        %get3A_489 = arith.index_cast %add3A_488 : i32 to index
        %get3A_490 = arith.constant 16 : index
        %get3A_491 = tpu.vector_load %arg15[%get3A_489, %get3A_490] {strides = array<i32>} : memref<640x64xf32, #tpu.memory_space<vmem>>, vector<1x16xf32>,
        %get3A_492 = vector.shape_cast %get3A_491 : vector<1x16xf32> to vector<16xf32>
        %add3A_493 = arith.addf %add3A_484, %get3A_492 : vector<16xf32>
        %mul3A_494 = arith.constant 20 : i32
        %mul3A_495 = arith.muli %scan3A_136, %mul3A_494 : i32
        %add3A_496 = arith.constant 16 : i32
        %add3A_497 = arith.addi %mul3A_495, %add3A_496 : i32
        %get3A_498 = arith.index_cast %add3A_497 : i32 to index
        %get3A_499 = arith.constant 16 : index
        %get3A_500 = tpu.vector_load %arg15[%get3A_498, %get3A_499] {strides = array<i32>} : memref<640x64xf32, #tpu.memory_space<vmem>>, vector<1x16xf32>,
        %get3A_501 = vector.shape_cast %get3A_500 : vector<1x16xf32> to vector<16xf32>
        %add3A_502 = arith.addf %add3A_493, %get3A_501 : vector<16xf32>
        %mul3A_503 = arith.constant 20 : i32
        %mul3A_504 = arith.muli %scan3A_136, %mul3A_503 : i32
        %add3A_505 = arith.constant 17 : i32
        %add3A_506 = arith.addi %mul3A_504, %add3A_505 : i32
        %get3A_507 = arith.index_cast %add3A_506 : i32 to index
        %get3A_508 = arith.constant 16 : index
        %get3A_509 = tpu.vector_load %arg15[%get3A_507, %get3A_508] {strides = array<i32>} : memref<640x64xf32, #tpu.memory_space<vmem>>, vector<1x16xf32>,
        %get3A_510 = vector.shape_cast %get3A_509 : vector<1x16xf32> to vector<16xf32>
        %add3A_511 = arith.addf %add3A_502, %get3A_510 : vector<16xf32>
        %mul3A_512 = arith.constant 20 : i32
        %mul3A_513 = arith.muli %scan3A_136, %mul3A_512 : i32
        %add3A_514 = arith.constant 18 : i32
        %add3A_515 = arith.addi %mul3A_513, %add3A_514 : i32
        %get3A_516 = arith.index_cast %add3A_515 : i32 to index
        %get3A_517 = arith.constant 16 : index
        %get3A_518 = tpu.vector_load %arg15[%get3A_516, %get3A_517] {strides = array<i32>} : memref<640x64xf32, #tpu.memory_space<vmem>>, vector<1x16xf32>,
        %get3A_519 = vector.shape_cast %get3A_518 : vector<1x16xf32> to vector<16xf32>
        %add3A_520 = arith.addf %add3A_511, %get3A_519 : vector<16xf32>
        %mul3A_521 = arith.constant 20 : i32
        %mul3A_522 = arith.muli %scan3A_136, %mul3A_521 : i32
        %add3A_523 = arith.constant 19 : i32
        %add3A_524 = arith.addi %mul3A_522, %add3A_523 : i32
        %get3A_525 = arith.index_cast %add3A_524 : i32 to index
        %get3A_526 = arith.constant 16 : index
        %get3A_527 = tpu.vector_load %arg15[%get3A_525, %get3A_526] {strides = array<i32>} : memref<640x64xf32, #tpu.memory_space<vmem>>, vector<1x16xf32>,
        %get3A_528 = vector.shape_cast %get3A_527 : vector<1x16xf32> to vector<16xf32>
        %add3A_529 = arith.addf %add3A_520, %get3A_528 : vector<16xf32>
        %mul3A_530 = arith.mulf %add3A_529, %get3A_143 : vector<16xf32>
        %add3A_531 = arith.addf %mul3A_352, %mul3A_530 : vector<16xf32>
        %mul3A_532 = arith.constant 20 : i32
        %mul3A_533 = arith.muli %scan3A_136, %mul3A_532 : i32
        %get3A_534 = arith.index_cast %mul3A_533 : i32 to index
        %get3A_535 = arith.constant 32 : index
        %get3A_536 = tpu.vector_load %arg15[%get3A_534, %get3A_535] {strides = array<i32>} : memref<640x64xf32, #tpu.memory_space<vmem>>, vector<1x16xf32>,
        %get3A_537 = vector.shape_cast %get3A_536 : vector<1x16xf32> to vector<16xf32>
        %mul3A_538 = arith.constant 20 : i32
        %mul3A_539 = arith.muli %scan3A_136, %mul3A_538 : i32
        %add3A_540 = arith.constant 1 : i32
        %add3A_541 = arith.addi %mul3A_539, %add3A_540 : i32
        %get3A_542 = arith.index_cast %add3A_541 : i32 to index
        %get3A_543 = arith.constant 32 : index
        %get3A_544 = tpu.vector_load %arg15[%get3A_542, %get3A_543] {strides = array<i32>} : memref<640x64xf32, #tpu.memory_space<vmem>>, vector<1x16xf32>,
        %get3A_545 = vector.shape_cast %get3A_544 : vector<1x16xf32> to vector<16xf32>
        %add3A_546 = arith.addf %get3A_537, %get3A_545 : vector<16xf32>
        %mul3A_547 = arith.constant 20 : i32
        %mul3A_548 = arith.muli %scan3A_136, %mul3A_547 : i32
        %add3A_549 = arith.constant 2 : i32
        %add3A_550 = arith.addi %mul3A_548, %add3A_549 : i32
        %get3A_551 = arith.index_cast %add3A_550 : i32 to index
        %get3A_552 = arith.constant 32 : index
        %get3A_553 = tpu.vector_load %arg15[%get3A_551, %get3A_552] {strides = array<i32>} : memref<640x64xf32, #tpu.memory_space<vmem>>, vector<1x16xf32>,
        %get3A_554 = vector.shape_cast %get3A_553 : vector<1x16xf32> to vector<16xf32>
        %add3A_555 = arith.addf %add3A_546, %get3A_554 : vector<16xf32>
        %mul3A_556 = arith.constant 20 : i32
        %mul3A_557 = arith.muli %scan3A_136, %mul3A_556 : i32
        %add3A_558 = arith.constant 3 : i32
        %add3A_559 = arith.addi %mul3A_557, %add3A_558 : i32
        %get3A_560 = arith.index_cast %add3A_559 : i32 to index
        %get3A_561 = arith.constant 32 : index
        %get3A_562 = tpu.vector_load %arg15[%get3A_560, %get3A_561] {strides = array<i32>} : memref<640x64xf32, #tpu.memory_space<vmem>>, vector<1x16xf32>,
        %get3A_563 = vector.shape_cast %get3A_562 : vector<1x16xf32> to vector<16xf32>
        %add3A_564 = arith.addf %add3A_555, %get3A_563 : vector<16xf32>
        %mul3A_565 = arith.constant 20 : i32
        %mul3A_566 = arith.muli %scan3A_136, %mul3A_565 : i32
        %add3A_567 = arith.constant 4 : i32
        %add3A_568 = arith.addi %mul3A_566, %add3A_567 : i32
        %get3A_569 = arith.index_cast %add3A_568 : i32 to index
        %get3A_570 = arith.constant 32 : index
        %get3A_571 = tpu.vector_load %arg15[%get3A_569, %get3A_570] {strides = array<i32>} : memref<640x64xf32, #tpu.memory_space<vmem>>, vector<1x16xf32>,
        %get3A_572 = vector.shape_cast %get3A_571 : vector<1x16xf32> to vector<16xf32>
        %add3A_573 = arith.addf %add3A_564, %get3A_572 : vector<16xf32>
        %mul3A_574 = arith.constant 20 : i32
        %mul3A_575 = arith.muli %scan3A_136, %mul3A_574 : i32
        %add3A_576 = arith.constant 5 : i32
        %add3A_577 = arith.addi %mul3A_575, %add3A_576 : i32
        %get3A_578 = arith.index_cast %add3A_577 : i32 to index
        %get3A_579 = arith.constant 32 : index
        %get3A_580 = tpu.vector_load %arg15[%get3A_578, %get3A_579] {strides = array<i32>} : memref<640x64xf32, #tpu.memory_space<vmem>>, vector<1x16xf32>,
        %get3A_581 = vector.shape_cast %get3A_580 : vector<1x16xf32> to vector<16xf32>
        %add3A_582 = arith.addf %add3A_573, %get3A_581 : vector<16xf32>
        %mul3A_583 = arith.constant 20 : i32
        %mul3A_584 = arith.muli %scan3A_136, %mul3A_583 : i32
        %add3A_585 = arith.constant 6 : i32
        %add3A_586 = arith.addi %mul3A_584, %add3A_585 : i32
        %get3A_587 = arith.index_cast %add3A_586 : i32 to index
        %get3A_588 = arith.constant 32 : index
        %get3A_589 = tpu.vector_load %arg15[%get3A_587, %get3A_588] {strides = array<i32>} : memref<640x64xf32, #tpu.memory_space<vmem>>, vector<1x16xf32>,
        %get3A_590 = vector.shape_cast %get3A_589 : vector<1x16xf32> to vector<16xf32>
        %add3A_591 = arith.addf %add3A_582, %get3A_590 : vector<16xf32>
        %mul3A_592 = arith.constant 20 : i32
        %mul3A_593 = arith.muli %scan3A_136, %mul3A_592 : i32
        %add3A_594 = arith.constant 7 : i32
        %add3A_595 = arith.addi %mul3A_593, %add3A_594 : i32
        %get3A_596 = arith.index_cast %add3A_595 : i32 to index
        %get3A_597 = arith.constant 32 : index
        %get3A_598 = tpu.vector_load %arg15[%get3A_596, %get3A_597] {strides = array<i32>} : memref<640x64xf32, #tpu.memory_space<vmem>>, vector<1x16xf32>,
        %get3A_599 = vector.shape_cast %get3A_598 : vector<1x16xf32> to vector<16xf32>
        %add3A_600 = arith.addf %add3A_591, %get3A_599 : vector<16xf32>
        %mul3A_601 = arith.constant 20 : i32
        %mul3A_602 = arith.muli %scan3A_136, %mul3A_601 : i32
        %add3A_603 = arith.constant 8 : i32
        %add3A_604 = arith.addi %mul3A_602, %add3A_603 : i32
        %get3A_605 = arith.index_cast %add3A_604 : i32 to index
        %get3A_606 = arith.constant 32 : index
        %get3A_607 = tpu.vector_load %arg15[%get3A_605, %get3A_606] {strides = array<i32>} : memref<640x64xf32, #tpu.memory_space<vmem>>, vector<1x16xf32>,
        %get3A_608 = vector.shape_cast %get3A_607 : vector<1x16xf32> to vector<16xf32>
        %add3A_609 = arith.addf %add3A_600, %get3A_608 : vector<16xf32>
        %mul3A_610 = arith.constant 20 : i32
        %mul3A_611 = arith.muli %scan3A_136, %mul3A_610 : i32
        %add3A_612 = arith.constant 9 : i32
        %add3A_613 = arith.addi %mul3A_611, %add3A_612 : i32
        %get3A_614 = arith.index_cast %add3A_613 : i32 to index
        %get3A_615 = arith.constant 32 : index
        %get3A_616 = tpu.vector_load %arg15[%get3A_614, %get3A_615] {strides = array<i32>} : memref<640x64xf32, #tpu.memory_space<vmem>>, vector<1x16xf32>,
        %get3A_617 = vector.shape_cast %get3A_616 : vector<1x16xf32> to vector<16xf32>
        %add3A_618 = arith.addf %add3A_609, %get3A_617 : vector<16xf32>
        %mul3A_619 = arith.constant 20 : i32
        %mul3A_620 = arith.muli %scan3A_136, %mul3A_619 : i32
        %add3A_621 = arith.constant 10 : i32
        %add3A_622 = arith.addi %mul3A_620, %add3A_621 : i32
        %get3A_623 = arith.index_cast %add3A_622 : i32 to index
        %get3A_624 = arith.constant 32 : index
        %get3A_625 = tpu.vector_load %arg15[%get3A_623, %get3A_624] {strides = array<i32>} : memref<640x64xf32, #tpu.memory_space<vmem>>, vector<1x16xf32>,
        %get3A_626 = vector.shape_cast %get3A_625 : vector<1x16xf32> to vector<16xf32>
        %add3A_627 = arith.addf %add3A_618, %get3A_626 : vector<16xf32>
        %mul3A_628 = arith.constant 20 : i32
        %mul3A_629 = arith.muli %scan3A_136, %mul3A_628 : i32
        %add3A_630 = arith.constant 11 : i32
        %add3A_631 = arith.addi %mul3A_629, %add3A_630 : i32
        %get3A_632 = arith.index_cast %add3A_631 : i32 to index
        %get3A_633 = arith.constant 32 : index
        %get3A_634 = tpu.vector_load %arg15[%get3A_632, %get3A_633] {strides = array<i32>} : memref<640x64xf32, #tpu.memory_space<vmem>>, vector<1x16xf32>,
        %get3A_635 = vector.shape_cast %get3A_634 : vector<1x16xf32> to vector<16xf32>
        %add3A_636 = arith.addf %add3A_627, %get3A_635 : vector<16xf32>
        %mul3A_637 = arith.constant 20 : i32
        %mul3A_638 = arith.muli %scan3A_136, %mul3A_637 : i32
        %add3A_639 = arith.constant 12 : i32
        %add3A_640 = arith.addi %mul3A_638, %add3A_639 : i32
        %get3A_641 = arith.index_cast %add3A_640 : i32 to index
        %get3A_642 = arith.constant 32 : index
        %get3A_643 = tpu.vector_load %arg15[%get3A_641, %get3A_642] {strides = array<i32>} : memref<640x64xf32, #tpu.memory_space<vmem>>, vector<1x16xf32>,
        %get3A_644 = vector.shape_cast %get3A_643 : vector<1x16xf32> to vector<16xf32>
        %add3A_645 = arith.addf %add3A_636, %get3A_644 : vector<16xf32>
        %mul3A_646 = arith.constant 20 : i32
        %mul3A_647 = arith.muli %scan3A_136, %mul3A_646 : i32
        %add3A_648 = arith.constant 13 : i32
        %add3A_649 = arith.addi %mul3A_647, %add3A_648 : i32
        %get3A_650 = arith.index_cast %add3A_649 : i32 to index
        %get3A_651 = arith.constant 32 : index
        %get3A_652 = tpu.vector_load %arg15[%get3A_650, %get3A_651] {strides = array<i32>} : memref<640x64xf32, #tpu.memory_space<vmem>>, vector<1x16xf32>,
        %get3A_653 = vector.shape_cast %get3A_652 : vector<1x16xf32> to vector<16xf32>
        %add3A_654 = arith.addf %add3A_645, %get3A_653 : vector<16xf32>
        %mul3A_655 = arith.constant 20 : i32
        %mul3A_656 = arith.muli %scan3A_136, %mul3A_655 : i32
        %add3A_657 = arith.constant 14 : i32
        %add3A_658 = arith.addi %mul3A_656, %add3A_657 : i32
        %get3A_659 = arith.index_cast %add3A_658 : i32 to index
        %get3A_660 = arith.constant 32 : index
        %get3A_661 = tpu.vector_load %arg15[%get3A_659, %get3A_660] {strides = array<i32>} : memref<640x64xf32, #tpu.memory_space<vmem>>, vector<1x16xf32>,
        %get3A_662 = vector.shape_cast %get3A_661 : vector<1x16xf32> to vector<16xf32>
        %add3A_663 = arith.addf %add3A_654, %get3A_662 : vector<16xf32>
        %mul3A_664 = arith.constant 20 : i32
        %mul3A_665 = arith.muli %scan3A_136, %mul3A_664 : i32
        %add3A_666 = arith.constant 15 : i32
        %add3A_667 = arith.addi %mul3A_665, %add3A_666 : i32
        %get3A_668 = arith.index_cast %add3A_667 : i32 to index
        %get3A_669 = arith.constant 32 : index
        %get3A_670 = tpu.vector_load %arg15[%get3A_668, %get3A_669] {strides = array<i32>} : memref<640x64xf32, #tpu.memory_space<vmem>>, vector<1x16xf32>,
        %get3A_671 = vector.shape_cast %get3A_670 : vector<1x16xf32> to vector<16xf32>
        %add3A_672 = arith.addf %add3A_663, %get3A_671 : vector<16xf32>
        %mul3A_673 = arith.constant 20 : i32
        %mul3A_674 = arith.muli %scan3A_136, %mul3A_673 : i32
        %add3A_675 = arith.constant 16 : i32
        %add3A_676 = arith.addi %mul3A_674, %add3A_675 : i32
        %get3A_677 = arith.index_cast %add3A_676 : i32 to index
        %get3A_678 = arith.constant 32 : index
        %get3A_679 = tpu.vector_load %arg15[%get3A_677, %get3A_678] {strides = array<i32>} : memref<640x64xf32, #tpu.memory_space<vmem>>, vector<1x16xf32>,
        %get3A_680 = vector.shape_cast %get3A_679 : vector<1x16xf32> to vector<16xf32>
        %add3A_681 = arith.addf %add3A_672, %get3A_680 : vector<16xf32>
        %mul3A_682 = arith.constant 20 : i32
        %mul3A_683 = arith.muli %scan3A_136, %mul3A_682 : i32
        %add3A_684 = arith.constant 17 : i32
        %add3A_685 = arith.addi %mul3A_683, %add3A_684 : i32
        %get3A_686 = arith.index_cast %add3A_685 : i32 to index
        %get3A_687 = arith.constant 32 : index
        %get3A_688 = tpu.vector_load %arg15[%get3A_686, %get3A_687] {strides = array<i32>} : memref<640x64xf32, #tpu.memory_space<vmem>>, vector<1x16xf32>,
        %get3A_689 = vector.shape_cast %get3A_688 : vector<1x16xf32> to vector<16xf32>
        %add3A_690 = arith.addf %add3A_681, %get3A_689 : vector<16xf32>
        %mul3A_691 = arith.constant 20 : i32
        %mul3A_692 = arith.muli %scan3A_136, %mul3A_691 : i32
        %add3A_693 = arith.constant 18 : i32
        %add3A_694 = arith.addi %mul3A_692, %add3A_693 : i32
        %get3A_695 = arith.index_cast %add3A_694 : i32 to index
        %get3A_696 = arith.constant 32 : index
        %get3A_697 = tpu.vector_load %arg15[%get3A_695, %get3A_696] {strides = array<i32>} : memref<640x64xf32, #tpu.memory_space<vmem>>, vector<1x16xf32>,
        %get3A_698 = vector.shape_cast %get3A_697 : vector<1x16xf32> to vector<16xf32>
        %add3A_699 = arith.addf %add3A_690, %get3A_698 : vector<16xf32>
        %mul3A_700 = arith.constant 20 : i32
        %mul3A_701 = arith.muli %scan3A_136, %mul3A_700 : i32
        %add3A_702 = arith.constant 19 : i32
        %add3A_703 = arith.addi %mul3A_701, %add3A_702 : i32
        %get3A_704 = arith.index_cast %add3A_703 : i32 to index
        %get3A_705 = arith.constant 32 : index
        %get3A_706 = tpu.vector_load %arg15[%get3A_704, %get3A_705] {strides = array<i32>} : memref<640x64xf32, #tpu.memory_space<vmem>>, vector<1x16xf32>,
        %get3A_707 = vector.shape_cast %get3A_706 : vector<1x16xf32> to vector<16xf32>
        %add3A_708 = arith.addf %add3A_699, %get3A_707 : vector<16xf32>
        %mul3A_709 = arith.mulf %add3A_708, %get3A_147 : vector<16xf32>
        %add3A_710 = arith.addf %add3A_531, %mul3A_709 : vector<16xf32>
        %mul3A_711 = arith.constant 20 : i32
        %mul3A_712 = arith.muli %scan3A_136, %mul3A_711 : i32
        %get3A_713 = arith.index_cast %mul3A_712 : i32 to index
        %get3A_714 = arith.constant 48 : index
        %get3A_715 = tpu.vector_load %arg15[%get3A_713, %get3A_714] {strides = array<i32>} : memref<640x64xf32, #tpu.memory_space<vmem>>, vector<1x16xf32>,
        %get3A_716 = vector.shape_cast %get3A_715 : vector<1x16xf32> to vector<16xf32>
        %mul3A_717 = arith.constant 20 : i32
        %mul3A_718 = arith.muli %scan3A_136, %mul3A_717 : i32
        %add3A_719 = arith.constant 1 : i32
        %add3A_720 = arith.addi %mul3A_718, %add3A_719 : i32
        %get3A_721 = arith.index_cast %add3A_720 : i32 to index
        %get3A_722 = arith.constant 48 : index
        %get3A_723 = tpu.vector_load %arg15[%get3A_721, %get3A_722] {strides = array<i32>} : memref<640x64xf32, #tpu.memory_space<vmem>>, vector<1x16xf32>,
        %get3A_724 = vector.shape_cast %get3A_723 : vector<1x16xf32> to vector<16xf32>
        %add3A_725 = arith.addf %get3A_716, %get3A_724 : vector<16xf32>
        %mul3A_726 = arith.constant 20 : i32
        %mul3A_727 = arith.muli %scan3A_136, %mul3A_726 : i32
        %add3A_728 = arith.constant 2 : i32
        %add3A_729 = arith.addi %mul3A_727, %add3A_728 : i32
        %get3A_730 = arith.index_cast %add3A_729 : i32 to index
        %get3A_731 = arith.constant 48 : index
        %get3A_732 = tpu.vector_load %arg15[%get3A_730, %get3A_731] {strides = array<i32>} : memref<640x64xf32, #tpu.memory_space<vmem>>, vector<1x16xf32>,
        %get3A_733 = vector.shape_cast %get3A_732 : vector<1x16xf32> to vector<16xf32>
        %add3A_734 = arith.addf %add3A_725, %get3A_733 : vector<16xf32>
        %mul3A_735 = arith.constant 20 : i32
        %mul3A_736 = arith.muli %scan3A_136, %mul3A_735 : i32
        %add3A_737 = arith.constant 3 : i32
        %add3A_738 = arith.addi %mul3A_736, %add3A_737 : i32
        %get3A_739 = arith.index_cast %add3A_738 : i32 to index
        %get3A_740 = arith.constant 48 : index
        %get3A_741 = tpu.vector_load %arg15[%get3A_739, %get3A_740] {strides = array<i32>} : memref<640x64xf32, #tpu.memory_space<vmem>>, vector<1x16xf32>,
        %get3A_742 = vector.shape_cast %get3A_741 : vector<1x16xf32> to vector<16xf32>
        %add3A_743 = arith.addf %add3A_734, %get3A_742 : vector<16xf32>
        %mul3A_744 = arith.constant 20 : i32
        %mul3A_745 = arith.muli %scan3A_136, %mul3A_744 : i32
        %add3A_746 = arith.constant 4 : i32
        %add3A_747 = arith.addi %mul3A_745, %add3A_746 : i32
        %get3A_748 = arith.index_cast %add3A_747 : i32 to index
        %get3A_749 = arith.constant 48 : index
        %get3A_750 = tpu.vector_load %arg15[%get3A_748, %get3A_749] {strides = array<i32>} : memref<640x64xf32, #tpu.memory_space<vmem>>, vector<1x16xf32>,
        %get3A_751 = vector.shape_cast %get3A_750 : vector<1x16xf32> to vector<16xf32>
        %add3A_752 = arith.addf %add3A_743, %get3A_751 : vector<16xf32>
        %mul3A_753 = arith.constant 20 : i32
        %mul3A_754 = arith.muli %scan3A_136, %mul3A_753 : i32
        %add3A_755 = arith.constant 5 : i32
        %add3A_756 = arith.addi %mul3A_754, %add3A_755 : i32
        %get3A_757 = arith.index_cast %add3A_756 : i32 to index
        %get3A_758 = arith.constant 48 : index
        %get3A_759 = tpu.vector_load %arg15[%get3A_757, %get3A_758] {strides = array<i32>} : memref<640x64xf32, #tpu.memory_space<vmem>>, vector<1x16xf32>,
        %get3A_760 = vector.shape_cast %get3A_759 : vector<1x16xf32> to vector<16xf32>
        %add3A_761 = arith.addf %add3A_752, %get3A_760 : vector<16xf32>
        %mul3A_762 = arith.constant 20 : i32
        %mul3A_763 = arith.muli %scan3A_136, %mul3A_762 : i32
        %add3A_764 = arith.constant 6 : i32
        %add3A_765 = arith.addi %mul3A_763, %add3A_764 : i32
        %get3A_766 = arith.index_cast %add3A_765 : i32 to index
        %get3A_767 = arith.constant 48 : index
        %get3A_768 = tpu.vector_load %arg15[%get3A_766, %get3A_767] {strides = array<i32>} : memref<640x64xf32, #tpu.memory_space<vmem>>, vector<1x16xf32>,
        %get3A_769 = vector.shape_cast %get3A_768 : vector<1x16xf32> to vector<16xf32>
        %add3A_770 = arith.addf %add3A_761, %get3A_769 : vector<16xf32>
        %mul3A_771 = arith.constant 20 : i32
        %mul3A_772 = arith.muli %scan3A_136, %mul3A_771 : i32
        %add3A_773 = arith.constant 7 : i32
        %add3A_774 = arith.addi %mul3A_772, %add3A_773 : i32
        %get3A_775 = arith.index_cast %add3A_774 : i32 to index
        %get3A_776 = arith.constant 48 : index
        %get3A_777 = tpu.vector_load %arg15[%get3A_775, %get3A_776] {strides = array<i32>} : memref<640x64xf32, #tpu.memory_space<vmem>>, vector<1x16xf32>,
        %get3A_778 = vector.shape_cast %get3A_777 : vector<1x16xf32> to vector<16xf32>
        %add3A_779 = arith.addf %add3A_770, %get3A_778 : vector<16xf32>
        %mul3A_780 = arith.constant 20 : i32
        %mul3A_781 = arith.muli %scan3A_136, %mul3A_780 : i32
        %add3A_782 = arith.constant 8 : i32
        %add3A_783 = arith.addi %mul3A_781, %add3A_782 : i32
        %get3A_784 = arith.index_cast %add3A_783 : i32 to index
        %get3A_785 = arith.constant 48 : index
        %get3A_786 = tpu.vector_load %arg15[%get3A_784, %get3A_785] {strides = array<i32>} : memref<640x64xf32, #tpu.memory_space<vmem>>, vector<1x16xf32>,
        %get3A_787 = vector.shape_cast %get3A_786 : vector<1x16xf32> to vector<16xf32>
        %add3A_788 = arith.addf %add3A_779, %get3A_787 : vector<16xf32>
        %mul3A_789 = arith.constant 20 : i32
        %mul3A_790 = arith.muli %scan3A_136, %mul3A_789 : i32
        %add3A_791 = arith.constant 9 : i32
        %add3A_792 = arith.addi %mul3A_790, %add3A_791 : i32
        %get3A_793 = arith.index_cast %add3A_792 : i32 to index
        %get3A_794 = arith.constant 48 : index
        %get3A_795 = tpu.vector_load %arg15[%get3A_793, %get3A_794] {strides = array<i32>} : memref<640x64xf32, #tpu.memory_space<vmem>>, vector<1x16xf32>,
        %get3A_796 = vector.shape_cast %get3A_795 : vector<1x16xf32> to vector<16xf32>
        %add3A_797 = arith.addf %add3A_788, %get3A_796 : vector<16xf32>
        %mul3A_798 = arith.constant 20 : i32
        %mul3A_799 = arith.muli %scan3A_136, %mul3A_798 : i32
        %add3A_800 = arith.constant 10 : i32
        %add3A_801 = arith.addi %mul3A_799, %add3A_800 : i32
        %get3A_802 = arith.index_cast %add3A_801 : i32 to index
        %get3A_803 = arith.constant 48 : index
        %get3A_804 = tpu.vector_load %arg15[%get3A_802, %get3A_803] {strides = array<i32>} : memref<640x64xf32, #tpu.memory_space<vmem>>, vector<1x16xf32>,
        %get3A_805 = vector.shape_cast %get3A_804 : vector<1x16xf32> to vector<16xf32>
        %add3A_806 = arith.addf %add3A_797, %get3A_805 : vector<16xf32>
        %mul3A_807 = arith.constant 20 : i32
        %mul3A_808 = arith.muli %scan3A_136, %mul3A_807 : i32
        %add3A_809 = arith.constant 11 : i32
        %add3A_810 = arith.addi %mul3A_808, %add3A_809 : i32
        %get3A_811 = arith.index_cast %add3A_810 : i32 to index
        %get3A_812 = arith.constant 48 : index
        %get3A_813 = tpu.vector_load %arg15[%get3A_811, %get3A_812] {strides = array<i32>} : memref<640x64xf32, #tpu.memory_space<vmem>>, vector<1x16xf32>,
        %get3A_814 = vector.shape_cast %get3A_813 : vector<1x16xf32> to vector<16xf32>
        %add3A_815 = arith.addf %add3A_806, %get3A_814 : vector<16xf32>
        %mul3A_816 = arith.constant 20 : i32
        %mul3A_817 = arith.muli %scan3A_136, %mul3A_816 : i32
        %add3A_818 = arith.constant 12 : i32
        %add3A_819 = arith.addi %mul3A_817, %add3A_818 : i32
        %get3A_820 = arith.index_cast %add3A_819 : i32 to index
        %get3A_821 = arith.constant 48 : index
        %get3A_822 = tpu.vector_load %arg15[%get3A_820, %get3A_821] {strides = array<i32>} : memref<640x64xf32, #tpu.memory_space<vmem>>, vector<1x16xf32>,
        %get3A_823 = vector.shape_cast %get3A_822 : vector<1x16xf32> to vector<16xf32>
        %add3A_824 = arith.addf %add3A_815, %get3A_823 : vector<16xf32>
        %mul3A_825 = arith.constant 20 : i32
        %mul3A_826 = arith.muli %scan3A_136, %mul3A_825 : i32
        %add3A_827 = arith.constant 13 : i32
        %add3A_828 = arith.addi %mul3A_826, %add3A_827 : i32
        %get3A_829 = arith.index_cast %add3A_828 : i32 to index
        %get3A_830 = arith.constant 48 : index
        %get3A_831 = tpu.vector_load %arg15[%get3A_829, %get3A_830] {strides = array<i32>} : memref<640x64xf32, #tpu.memory_space<vmem>>, vector<1x16xf32>,
        %get3A_832 = vector.shape_cast %get3A_831 : vector<1x16xf32> to vector<16xf32>
        %add3A_833 = arith.addf %add3A_824, %get3A_832 : vector<16xf32>
        %mul3A_834 = arith.constant 20 : i32
        %mul3A_835 = arith.muli %scan3A_136, %mul3A_834 : i32
        %add3A_836 = arith.constant 14 : i32
        %add3A_837 = arith.addi %mul3A_835, %add3A_836 : i32
        %get3A_838 = arith.index_cast %add3A_837 : i32 to index
        %get3A_839 = arith.constant 48 : index
        %get3A_840 = tpu.vector_load %arg15[%get3A_838, %get3A_839] {strides = array<i32>} : memref<640x64xf32, #tpu.memory_space<vmem>>, vector<1x16xf32>,
        %get3A_841 = vector.shape_cast %get3A_840 : vector<1x16xf32> to vector<16xf32>
        %add3A_842 = arith.addf %add3A_833, %get3A_841 : vector<16xf32>
        %mul3A_843 = arith.constant 20 : i32
        %mul3A_844 = arith.muli %scan3A_136, %mul3A_843 : i32
        %add3A_845 = arith.constant 15 : i32
        %add3A_846 = arith.addi %mul3A_844, %add3A_845 : i32
        %get3A_847 = arith.index_cast %add3A_846 : i32 to index
        %get3A_848 = arith.constant 48 : index
        %get3A_849 = tpu.vector_load %arg15[%get3A_847, %get3A_848] {strides = array<i32>} : memref<640x64xf32, #tpu.memory_space<vmem>>, vector<1x16xf32>,
        %get3A_850 = vector.shape_cast %get3A_849 : vector<1x16xf32> to vector<16xf32>
        %add3A_851 = arith.addf %add3A_842, %get3A_850 : vector<16xf32>
        %mul3A_852 = arith.constant 20 : i32
        %mul3A_853 = arith.muli %scan3A_136, %mul3A_852 : i32
        %add3A_854 = arith.constant 16 : i32
        %add3A_855 = arith.addi %mul3A_853, %add3A_854 : i32
        %get3A_856 = arith.index_cast %add3A_855 : i32 to index
        %get3A_857 = arith.constant 48 : index
        %get3A_858 = tpu.vector_load %arg15[%get3A_856, %get3A_857] {strides = array<i32>} : memref<640x64xf32, #tpu.memory_space<vmem>>, vector<1x16xf32>,
        %get3A_859 = vector.shape_cast %get3A_858 : vector<1x16xf32> to vector<16xf32>
        %add3A_860 = arith.addf %add3A_851, %get3A_859 : vector<16xf32>
        %mul3A_861 = arith.constant 20 : i32
        %mul3A_862 = arith.muli %scan3A_136, %mul3A_861 : i32
        %add3A_863 = arith.constant 17 : i32
        %add3A_864 = arith.addi %mul3A_862, %add3A_863 : i32
        %get3A_865 = arith.index_cast %add3A_864 : i32 to index
        %get3A_866 = arith.constant 48 : index
        %get3A_867 = tpu.vector_load %arg15[%get3A_865, %get3A_866] {strides = array<i32>} : memref<640x64xf32, #tpu.memory_space<vmem>>, vector<1x16xf32>,
        %get3A_868 = vector.shape_cast %get3A_867 : vector<1x16xf32> to vector<16xf32>
        %add3A_869 = arith.addf %add3A_860, %get3A_868 : vector<16xf32>
        %mul3A_870 = arith.constant 20 : i32
        %mul3A_871 = arith.muli %scan3A_136, %mul3A_870 : i32
        %add3A_872 = arith.constant 18 : i32
        %add3A_873 = arith.addi %mul3A_871, %add3A_872 : i32
        %get3A_874 = arith.index_cast %add3A_873 : i32 to index
        %get3A_875 = arith.constant 48 : index
        %get3A_876 = tpu.vector_load %arg15[%get3A_874, %get3A_875] {strides = array<i32>} : memref<640x64xf32, #tpu.memory_space<vmem>>, vector<1x16xf32>,
        %get3A_877 = vector.shape_cast %get3A_876 : vector<1x16xf32> to vector<16xf32>
        %add3A_878 = arith.addf %add3A_869, %get3A_877 : vector<16xf32>
        %mul3A_879 = arith.constant 20 : i32
        %mul3A_880 = arith.muli %scan3A_136, %mul3A_879 : i32
        %add3A_881 = arith.constant 19 : i32
        %add3A_882 = arith.addi %mul3A_880, %add3A_881 : i32
        %get3A_883 = arith.index_cast %add3A_882 : i32 to index
        %get3A_884 = arith.constant 48 : index
        %get3A_885 = tpu.vector_load %arg15[%get3A_883, %get3A_884] {strides = array<i32>} : memref<640x64xf32, #tpu.memory_space<vmem>>, vector<1x16xf32>,
        %get3A_886 = vector.shape_cast %get3A_885 : vector<1x16xf32> to vector<16xf32>
        %add3A_887 = arith.addf %add3A_878, %get3A_886 : vector<16xf32>
        %mul3A_888 = arith.mulf %add3A_887, %get3A_151 : vector<16xf32>
        %add3A_889 = arith.addf %add3A_710, %mul3A_888 : vector<16xf32>
        %mul3A_890 = arith.constant 32 : i32
        %mul3A_891 = arith.muli %add3A_73, %mul3A_890 : i32
        %add3A_892 = arith.addi %mul3A_891, %scan3A_136 : i32
        %swap3A = arith.index_cast %add3A_892 : i32 to index
        %swap3A_893 = arith.constant 0 : index
        %swap3A_894 = tpu.vector_load %arg17[%swap3A, %swap3A_893] {strides = array<i32>} : memref<512x32xf32, #tpu.memory_space<vmem>>, vector<1x16xf32>,
        %swap3A_895 = vector.shape_cast %swap3A_894 : vector<1x16xf32> to vector<16xf32>
        %swap3A_896 = vector.shape_cast %add3A_174 : vector<16xf32> to vector<1x16xf32>
        tpu.vector_store %arg17[%swap3A, %swap3A_893], %swap3A_896 {strides = array<i32>} : memref<512x32xf32, #tpu.memory_space<vmem>>, vector<1x16xf32>,
        %swap3A_897 = arith.index_cast %add3A_892 : i32 to index
        %swap3A_898 = arith.constant 16 : index
        %swap3A_899 = tpu.vector_load %arg17[%swap3A_897, %swap3A_898] {strides = array<i32>} : memref<512x32xf32, #tpu.memory_space<vmem>>, vector<1x16xf32>,
        %swap3A_900 = vector.shape_cast %swap3A_899 : vector<1x16xf32> to vector<16xf32>
        %swap3A_901 = vector.shape_cast %add3A_889 : vector<16xf32> to vector<1x16xf32>
        tpu.vector_store %arg17[%swap3A_897, %swap3A_898], %swap3A_901 {strides = array<i32>} : memref<512x32xf32, #tpu.memory_space<vmem>>, vector<1x16xf32>,
      }
      %scan3A_100 = arith.constant 32 : i32
      %mul3A_101 = arith.constant 2 : i32
      %mul3A_102 = arith.muli %scan3A_69, %mul3A_101 : i32
      %add3A_103 = arith.constant 1 : i32
      %add3A_104 = arith.addi %mul3A_102, %add3A_103 : i32
      %add3A_105 = arith.constant 1 : i32
      %add3A_106 = arith.addi %add3A_104, %add3A_105 : i32
      %lt3A_107 = arith.constant 16 : i32
      %lt3A_108 = arith.cmpi slt, %add3A_106, %lt3A_107 : i32
      %convert_element_type3A_109 = arith.extui %lt3A_108 : i1 to i32
      %cond3A_110 = arith.constant 0 : i32
      %cond3A_111 = arith.cmpi ne, %convert_element_type3A_109, %cond3A_110 : i32
      scf.if %cond3A_111 {
        %add3A_136 = arith.constant 1 : i32
        %add3A_137 = arith.addi %add3A_104, %add3A_136 : i32
        %mul3A_138 = arith.constant 32 : i32
        %mul3A_139 = arith.muli %add3A_137, %mul3A_138 : i32
        %dma_start3A_140 = tpu.memref_slice %arg8[%mul3A_139] : memref<512xi32, #tpu.memory_space<vmem>> -> memref<32xi32, #tpu.memory_space<vmem>>
        %dma_start3A_141 = arith.constant 0 : i32
        %dma_start3A_142 = arith.constant 0 : i32
        %dma_start3A_143 = tpu.memref_slice %arg5[%dma_start3A_141, %dma_start3A_142] : memref<1000000x64xf32, #tpu.memory_space<hbm>> -> memref<1000000x64xf32, #tpu.memory_space<hbm>>
        tpu.enqueue_indirect_dma source(%dma_start3A_143 : memref<1000000x64xf32, #tpu.memory_space<hbm>>) target(%arg11 : memref<32x64xf32, #tpu.memory_space<vmem>>) offsets(%dma_start3A_140 : memref<32xi32, #tpu.memory_space<vmem>>) semaphore(%arg18 : memref<!tpu.dma_semaphore, #tpu.memory_space<semaphore_mem>>)
        %mul3A_144 = arith.constant 32 : i32
        %mul3A_145 = arith.muli %add3A_137, %mul3A_144 : i32
        %dma_start3A_146 = tpu.memref_slice %arg9[%mul3A_145] : memref<512xi32, #tpu.memory_space<vmem>> -> memref<32xi32, #tpu.memory_space<vmem>>
        %dma_start3A_147 = arith.constant 0 : i32
        %dma_start3A_148 = arith.constant 0 : i32
        %dma_start3A_149 = tpu.memref_slice %arg6[%dma_start3A_147, %dma_start3A_148] : memref<1000000x64xf32, #tpu.memory_space<hbm>> -> memref<1000000x64xf32, #tpu.memory_space<hbm>>
        tpu.enqueue_indirect_dma source(%dma_start3A_149 : memref<1000000x64xf32, #tpu.memory_space<hbm>>) target(%arg13 : memref<32x64xf32, #tpu.memory_space<vmem>>) offsets(%dma_start3A_146 : memref<32xi32, #tpu.memory_space<vmem>>) semaphore(%arg18 : memref<!tpu.dma_semaphore, #tpu.memory_space<semaphore_mem>>)
        %mul3A_150 = arith.constant 5 : i32
        %mul3A_151 = arith.muli %add3A_137, %mul3A_150 : i32
        %add3A_152 = arith.constant 0 : i32
        %add3A_153 = arith.addi %mul3A_151, %add3A_152 : i32
        %dma_start3A_154 = arith.constant 0 : i32
        %dma_start3A_155 = arith.constant 0 : i32
        %dma_start3A_156 = tpu.memref_slice %arg15[%dma_start3A_154, %dma_start3A_155] : memref<640x64xf32, #tpu.memory_space<vmem>> -> memref<128x64xf32, #tpu.memory_space<vmem>>
        %dma_start3A_157 = arith.constant 0 : i32
        %dma_start3A_158 = tpu.memref_slice %arg10[%add3A_153, %dma_start3A_157] : memref<80x128xi32, #tpu.memory_space<vmem>> -> memref<1x128xi32, #tpu.memory_space<vmem>>
        %dma_start3A_159 = tpu.memref_squeeze %dma_start3A_158 : memref<1x128xi32, #tpu.memory_space<vmem>> -> memref<128xi32, #tpu.memory_space<vmem>>
        %dma_start3A_160 = arith.constant 0 : i32
        %dma_start3A_161 = arith.constant 0 : i32
        %dma_start3A_162 = tpu.memref_slice %arg6[%dma_start3A_160, %dma_start3A_161] : memref<1000000x64xf32, #tpu.memory_space<hbm>> -> memref<1000000x64xf32, #tpu.memory_space<hbm>>
        tpu.enqueue_indirect_dma source(%dma_start3A_162 : memref<1000000x64xf32, #tpu.memory_space<hbm>>) target(%dma_start3A_156 : memref<128x64xf32, #tpu.memory_space<vmem>>) offsets(%dma_start3A_159 : memref<128xi32, #tpu.memory_space<vmem>>) semaphore(%arg18 : memref<!tpu.dma_semaphore, #tpu.memory_space<semaphore_mem>>)
        %mul3A_163 = arith.constant 5 : i32
        %mul3A_164 = arith.muli %add3A_137, %mul3A_163 : i32
        %add3A_165 = arith.constant 1 : i32
        %add3A_166 = arith.addi %mul3A_164, %add3A_165 : i32
        %dma_start3A_167 = arith.constant 128 : i32
        %dma_start3A_168 = arith.constant 0 : i32
        %dma_start3A_169 = tpu.memref_slice %arg15[%dma_start3A_167, %dma_start3A_168] : memref<640x64xf32, #tpu.memory_space<vmem>> -> memref<128x64xf32, #tpu.memory_space<vmem>>
        %dma_start3A_170 = arith.constant 0 : i32
        %dma_start3A_171 = tpu.memref_slice %arg10[%add3A_166, %dma_start3A_170] : memref<80x128xi32, #tpu.memory_space<vmem>> -> memref<1x128xi32, #tpu.memory_space<vmem>>
        %dma_start3A_172 = tpu.memref_squeeze %dma_start3A_171 : memref<1x128xi32, #tpu.memory_space<vmem>> -> memref<128xi32, #tpu.memory_space<vmem>>
        %dma_start3A_173 = arith.constant 0 : i32
        %dma_start3A_174 = arith.constant 0 : i32
        %dma_start3A_175 = tpu.memref_slice %arg6[%dma_start3A_173, %dma_start3A_174] : memref<1000000x64xf32, #tpu.memory_space<hbm>> -> memref<1000000x64xf32, #tpu.memory_space<hbm>>
        tpu.enqueue_indirect_dma source(%dma_start3A_175 : memref<1000000x64xf32, #tpu.memory_space<hbm>>) target(%dma_start3A_169 : memref<128x64xf32, #tpu.memory_space<vmem>>) offsets(%dma_start3A_172 : memref<128xi32, #tpu.memory_space<vmem>>) semaphore(%arg18 : memref<!tpu.dma_semaphore, #tpu.memory_space<semaphore_mem>>)
        %mul3A_176 = arith.constant 5 : i32
        %mul3A_177 = arith.muli %add3A_137, %mul3A_176 : i32
        %add3A_178 = arith.constant 2 : i32
        %add3A_179 = arith.addi %mul3A_177, %add3A_178 : i32
        %dma_start3A_180 = arith.constant 256 : i32
        %dma_start3A_181 = arith.constant 0 : i32
        %dma_start3A_182 = tpu.memref_slice %arg15[%dma_start3A_180, %dma_start3A_181] : memref<640x64xf32, #tpu.memory_space<vmem>> -> memref<128x64xf32, #tpu.memory_space<vmem>>
        %dma_start3A_183 = arith.constant 0 : i32
        %dma_start3A_184 = tpu.memref_slice %arg10[%add3A_179, %dma_start3A_183] : memref<80x128xi32, #tpu.memory_space<vmem>> -> memref<1x128xi32, #tpu.memory_space<vmem>>
        %dma_start3A_185 = tpu.memref_squeeze %dma_start3A_184 : memref<1x128xi32, #tpu.memory_space<vmem>> -> memref<128xi32, #tpu.memory_space<vmem>>
        %dma_start3A_186 = arith.constant 0 : i32
        %dma_start3A_187 = arith.constant 0 : i32
        %dma_start3A_188 = tpu.memref_slice %arg6[%dma_start3A_186, %dma_start3A_187] : memref<1000000x64xf32, #tpu.memory_space<hbm>> -> memref<1000000x64xf32, #tpu.memory_space<hbm>>
        tpu.enqueue_indirect_dma source(%dma_start3A_188 : memref<1000000x64xf32, #tpu.memory_space<hbm>>) target(%dma_start3A_182 : memref<128x64xf32, #tpu.memory_space<vmem>>) offsets(%dma_start3A_185 : memref<128xi32, #tpu.memory_space<vmem>>) semaphore(%arg18 : memref<!tpu.dma_semaphore, #tpu.memory_space<semaphore_mem>>)
        %mul3A_189 = arith.constant 5 : i32
        %mul3A_190 = arith.muli %add3A_137, %mul3A_189 : i32
        %add3A_191 = arith.constant 3 : i32
        %add3A_192 = arith.addi %mul3A_190, %add3A_191 : i32
        %dma_start3A_193 = arith.constant 384 : i32
        %dma_start3A_194 = arith.constant 0 : i32
        %dma_start3A_195 = tpu.memref_slice %arg15[%dma_start3A_193, %dma_start3A_194] : memref<640x64xf32, #tpu.memory_space<vmem>> -> memref<128x64xf32, #tpu.memory_space<vmem>>
        %dma_start3A_196 = arith.constant 0 : i32
        %dma_start3A_197 = tpu.memref_slice %arg10[%add3A_192, %dma_start3A_196] : memref<80x128xi32, #tpu.memory_space<vmem>> -> memref<1x128xi32, #tpu.memory_space<vmem>>
        %dma_start3A_198 = tpu.memref_squeeze %dma_start3A_197 : memref<1x128xi32, #tpu.memory_space<vmem>> -> memref<128xi32, #tpu.memory_space<vmem>>
        %dma_start3A_199 = arith.constant 0 : i32
        %dma_start3A_200 = arith.constant 0 : i32
        %dma_start3A_201 = tpu.memref_slice %arg6[%dma_start3A_199, %dma_start3A_200] : memref<1000000x64xf32, #tpu.memory_space<hbm>> -> memref<1000000x64xf32, #tpu.memory_space<hbm>>
        tpu.enqueue_indirect_dma source(%dma_start3A_201 : memref<1000000x64xf32, #tpu.memory_space<hbm>>) target(%dma_start3A_195 : memref<128x64xf32, #tpu.memory_space<vmem>>) offsets(%dma_start3A_198 : memref<128xi32, #tpu.memory_space<vmem>>) semaphore(%arg18 : memref<!tpu.dma_semaphore, #tpu.memory_space<semaphore_mem>>)
        %mul3A_202 = arith.constant 5 : i32
        %mul3A_203 = arith.muli %add3A_137, %mul3A_202 : i32
        %add3A_204 = arith.constant 4 : i32
        %add3A_205 = arith.addi %mul3A_203, %add3A_204 : i32
        %dma_start3A_206 = arith.constant 512 : i32
        %dma_start3A_207 = arith.constant 0 : i32
        %dma_start3A_208 = tpu.memref_slice %arg15[%dma_start3A_206, %dma_start3A_207] : memref<640x64xf32, #tpu.memory_space<vmem>> -> memref<128x64xf32, #tpu.memory_space<vmem>>
        %dma_start3A_209 = arith.constant 0 : i32
        %dma_start3A_210 = tpu.memref_slice %arg10[%add3A_205, %dma_start3A_209] : memref<80x128xi32, #tpu.memory_space<vmem>> -> memref<1x128xi32, #tpu.memory_space<vmem>>
        %dma_start3A_211 = tpu.memref_squeeze %dma_start3A_210 : memref<1x128xi32, #tpu.memory_space<vmem>> -> memref<128xi32, #tpu.memory_space<vmem>>
        %dma_start3A_212 = arith.constant 0 : i32
        %dma_start3A_213 = arith.constant 0 : i32
        %dma_start3A_214 = tpu.memref_slice %arg6[%dma_start3A_212, %dma_start3A_213] : memref<1000000x64xf32, #tpu.memory_space<hbm>> -> memref<1000000x64xf32, #tpu.memory_space<hbm>>
        tpu.enqueue_indirect_dma source(%dma_start3A_214 : memref<1000000x64xf32, #tpu.memory_space<hbm>>) target(%dma_start3A_208 : memref<128x64xf32, #tpu.memory_space<vmem>>) offsets(%dma_start3A_211 : memref<128xi32, #tpu.memory_space<vmem>>) semaphore(%arg18 : memref<!tpu.dma_semaphore, #tpu.memory_space<semaphore_mem>>)
      } else {
      }
      %dma_wait3A_112 = arith.constant 0 : i32
      %dma_wait3A_113 = arith.constant 0 : i32
      %dma_wait3A_114 = tpu.memref_slice %arg5[%dma_wait3A_112, %dma_wait3A_113] : memref<1000000x64xf32, #tpu.memory_space<hbm>> -> memref<32x64xf32, #tpu.memory_space<hbm>>
      %dma_wait3A_115 = arith.constant 0 : i32
      %dma_wait3A_116 = arith.constant 0 : i32
      %dma_wait3A_117 = tpu.memref_slice %arg5[%dma_wait3A_115, %dma_wait3A_116] : memref<1000000x64xf32, #tpu.memory_space<hbm>> -> memref<32x64xf32, #tpu.memory_space<hbm>>
      tpu.wait_dma2 semaphore(%arg19 : memref<!tpu.dma_semaphore, #tpu.memory_space<semaphore_mem>>) src(%dma_wait3A_117 : memref<32x64xf32, #tpu.memory_space<hbm>>) dst(%arg12 : memref<32x64xf32, #tpu.memory_space<vmem>>)
      %dma_wait3A_118 = arith.constant 0 : i32
      %dma_wait3A_119 = arith.constant 0 : i32
      %dma_wait3A_120 = tpu.memref_slice %arg6[%dma_wait3A_118, %dma_wait3A_119] : memref<1000000x64xf32, #tpu.memory_space<hbm>> -> memref<32x64xf32, #tpu.memory_space<hbm>>
      %dma_wait3A_121 = arith.constant 0 : i32
      %dma_wait3A_122 = arith.constant 0 : i32
      %dma_wait3A_123 = tpu.memref_slice %arg6[%dma_wait3A_121, %dma_wait3A_122] : memref<1000000x64xf32, #tpu.memory_space<hbm>> -> memref<32x64xf32, #tpu.memory_space<hbm>>
      tpu.wait_dma2 semaphore(%arg19 : memref<!tpu.dma_semaphore, #tpu.memory_space<semaphore_mem>>) src(%dma_wait3A_123 : memref<32x64xf32, #tpu.memory_space<hbm>>) dst(%arg14 : memref<32x64xf32, #tpu.memory_space<vmem>>)
      %dma_wait3A_124 = arith.constant 0 : i32
      %dma_wait3A_125 = arith.constant 0 : i32
      %dma_wait3A_126 = tpu.memref_slice %arg6[%dma_wait3A_124, %dma_wait3A_125] : memref<1000000x64xf32, #tpu.memory_space<hbm>> -> memref<640x64xf32, #tpu.memory_space<hbm>>
      %dma_wait3A_127 = arith.constant 0 : i32
      %dma_wait3A_128 = arith.constant 0 : i32
      %dma_wait3A_129 = tpu.memref_slice %arg6[%dma_wait3A_127, %dma_wait3A_128] : memref<1000000x64xf32, #tpu.memory_space<hbm>> -> memref<640x64xf32, #tpu.memory_space<hbm>>
      tpu.wait_dma2 semaphore(%arg19 : memref<!tpu.dma_semaphore, #tpu.memory_space<semaphore_mem>>) src(%dma_wait3A_129 : memref<640x64xf32, #tpu.memory_space<hbm>>) dst(%arg16 : memref<640x64xf32, #tpu.memory_space<vmem>>)
      %scan3A_130 = arith.constant 0 : i32
      %scan3A_131 = arith.constant 0 : i32
      %scan3A_132 = arith.constant 32 : i32
      %scan3A_133 = arith.addi %scan3A_131, %scan3A_132 : i32
      %scan3A_134 = arith.constant 1 : i32
      scf.for %scan3A_136 = %scan3A_131 to %scan3A_133 step %scan3A_134  : i32 {
        %get3A = arith.index_cast %scan3A_136 : i32 to index
        %get3A_137 = arith.constant 0 : index
        %get3A_138 = tpu.vector_load %arg12[%get3A, %get3A_137] {strides = array<i32>} : memref<32x64xf32, #tpu.memory_space<vmem>>, vector<1x16xf32>,
        %get3A_139 = vector.shape_cast %get3A_138 : vector<1x16xf32> to vector<16xf32>
        %get3A_140 = arith.index_cast %scan3A_136 : i32 to index
        %get3A_141 = arith.constant 16 : index
        %get3A_142 = tpu.vector_load %arg12[%get3A_140, %get3A_141] {strides = array<i32>} : memref<32x64xf32, #tpu.memory_space<vmem>>, vector<1x16xf32>,
        %get3A_143 = vector.shape_cast %get3A_142 : vector<1x16xf32> to vector<16xf32>
        %get3A_144 = arith.index_cast %scan3A_136 : i32 to index
        %get3A_145 = arith.constant 32 : index
        %get3A_146 = tpu.vector_load %arg12[%get3A_144, %get3A_145] {strides = array<i32>} : memref<32x64xf32, #tpu.memory_space<vmem>>, vector<1x16xf32>,
        %get3A_147 = vector.shape_cast %get3A_146 : vector<1x16xf32> to vector<16xf32>
        %get3A_148 = arith.index_cast %scan3A_136 : i32 to index
        %get3A_149 = arith.constant 48 : index
        %get3A_150 = tpu.vector_load %arg12[%get3A_148, %get3A_149] {strides = array<i32>} : memref<32x64xf32, #tpu.memory_space<vmem>>, vector<1x16xf32>,
        %get3A_151 = vector.shape_cast %get3A_150 : vector<1x16xf32> to vector<16xf32>
        %get3A_152 = arith.index_cast %scan3A_136 : i32 to index
        %get3A_153 = arith.constant 0 : index
        %get3A_154 = tpu.vector_load %arg14[%get3A_152, %get3A_153] {strides = array<i32>} : memref<32x64xf32, #tpu.memory_space<vmem>>, vector<1x16xf32>,
        %get3A_155 = vector.shape_cast %get3A_154 : vector<1x16xf32> to vector<16xf32>
        %mul3A_156 = arith.mulf %get3A_139, %get3A_155 : vector<16xf32>
        %get3A_157 = arith.index_cast %scan3A_136 : i32 to index
        %get3A_158 = arith.constant 16 : index
        %get3A_159 = tpu.vector_load %arg14[%get3A_157, %get3A_158] {strides = array<i32>} : memref<32x64xf32, #tpu.memory_space<vmem>>, vector<1x16xf32>,
        %get3A_160 = vector.shape_cast %get3A_159 : vector<1x16xf32> to vector<16xf32>
        %mul3A_161 = arith.mulf %get3A_143, %get3A_160 : vector<16xf32>
        %add3A_162 = arith.addf %mul3A_156, %mul3A_161 : vector<16xf32>
        %get3A_163 = arith.index_cast %scan3A_136 : i32 to index
        %get3A_164 = arith.constant 32 : index
        %get3A_165 = tpu.vector_load %arg14[%get3A_163, %get3A_164] {strides = array<i32>} : memref<32x64xf32, #tpu.memory_space<vmem>>, vector<1x16xf32>,
        %get3A_166 = vector.shape_cast %get3A_165 : vector<1x16xf32> to vector<16xf32>
        %mul3A_167 = arith.mulf %get3A_147, %get3A_166 : vector<16xf32>
        %add3A_168 = arith.addf %add3A_162, %mul3A_167 : vector<16xf32>
        %get3A_169 = arith.index_cast %scan3A_136 : i32 to index
        %get3A_170 = arith.constant 48 : index
        %get3A_171 = tpu.vector_load %arg14[%get3A_169, %get3A_170] {strides = array<i32>} : memref<32x64xf32, #tpu.memory_space<vmem>>, vector<1x16xf32>,
        %get3A_172 = vector.shape_cast %get3A_171 : vector<1x16xf32> to vector<16xf32>
        %mul3A_173 = arith.mulf %get3A_151, %get3A_172 : vector<16xf32>
        %add3A_174 = arith.addf %add3A_168, %mul3A_173 : vector<16xf32>
        %mul3A_175 = arith.constant 20 : i32
        %mul3A_176 = arith.muli %scan3A_136, %mul3A_175 : i32
        %get3A_177 = arith.index_cast %mul3A_176 : i32 to index
        %get3A_178 = arith.constant 0 : index
        %get3A_179 = tpu.vector_load %arg16[%get3A_177, %get3A_178] {strides = array<i32>} : memref<640x64xf32, #tpu.memory_space<vmem>>, vector<1x16xf32>,
        %get3A_180 = vector.shape_cast %get3A_179 : vector<1x16xf32> to vector<16xf32>
        %mul3A_181 = arith.constant 20 : i32
        %mul3A_182 = arith.muli %scan3A_136, %mul3A_181 : i32
        %add3A_183 = arith.constant 1 : i32
        %add3A_184 = arith.addi %mul3A_182, %add3A_183 : i32
        %get3A_185 = arith.index_cast %add3A_184 : i32 to index
        %get3A_186 = arith.constant 0 : index
        %get3A_187 = tpu.vector_load %arg16[%get3A_185, %get3A_186] {strides = array<i32>} : memref<640x64xf32, #tpu.memory_space<vmem>>, vector<1x16xf32>,
        %get3A_188 = vector.shape_cast %get3A_187 : vector<1x16xf32> to vector<16xf32>
        %add3A_189 = arith.addf %get3A_180, %get3A_188 : vector<16xf32>
        %mul3A_190 = arith.constant 20 : i32
        %mul3A_191 = arith.muli %scan3A_136, %mul3A_190 : i32
        %add3A_192 = arith.constant 2 : i32
        %add3A_193 = arith.addi %mul3A_191, %add3A_192 : i32
        %get3A_194 = arith.index_cast %add3A_193 : i32 to index
        %get3A_195 = arith.constant 0 : index
        %get3A_196 = tpu.vector_load %arg16[%get3A_194, %get3A_195] {strides = array<i32>} : memref<640x64xf32, #tpu.memory_space<vmem>>, vector<1x16xf32>,
        %get3A_197 = vector.shape_cast %get3A_196 : vector<1x16xf32> to vector<16xf32>
        %add3A_198 = arith.addf %add3A_189, %get3A_197 : vector<16xf32>
        %mul3A_199 = arith.constant 20 : i32
        %mul3A_200 = arith.muli %scan3A_136, %mul3A_199 : i32
        %add3A_201 = arith.constant 3 : i32
        %add3A_202 = arith.addi %mul3A_200, %add3A_201 : i32
        %get3A_203 = arith.index_cast %add3A_202 : i32 to index
        %get3A_204 = arith.constant 0 : index
        %get3A_205 = tpu.vector_load %arg16[%get3A_203, %get3A_204] {strides = array<i32>} : memref<640x64xf32, #tpu.memory_space<vmem>>, vector<1x16xf32>,
        %get3A_206 = vector.shape_cast %get3A_205 : vector<1x16xf32> to vector<16xf32>
        %add3A_207 = arith.addf %add3A_198, %get3A_206 : vector<16xf32>
        %mul3A_208 = arith.constant 20 : i32
        %mul3A_209 = arith.muli %scan3A_136, %mul3A_208 : i32
        %add3A_210 = arith.constant 4 : i32
        %add3A_211 = arith.addi %mul3A_209, %add3A_210 : i32
        %get3A_212 = arith.index_cast %add3A_211 : i32 to index
        %get3A_213 = arith.constant 0 : index
        %get3A_214 = tpu.vector_load %arg16[%get3A_212, %get3A_213] {strides = array<i32>} : memref<640x64xf32, #tpu.memory_space<vmem>>, vector<1x16xf32>,
        %get3A_215 = vector.shape_cast %get3A_214 : vector<1x16xf32> to vector<16xf32>
        %add3A_216 = arith.addf %add3A_207, %get3A_215 : vector<16xf32>
        %mul3A_217 = arith.constant 20 : i32
        %mul3A_218 = arith.muli %scan3A_136, %mul3A_217 : i32
        %add3A_219 = arith.constant 5 : i32
        %add3A_220 = arith.addi %mul3A_218, %add3A_219 : i32
        %get3A_221 = arith.index_cast %add3A_220 : i32 to index
        %get3A_222 = arith.constant 0 : index
        %get3A_223 = tpu.vector_load %arg16[%get3A_221, %get3A_222] {strides = array<i32>} : memref<640x64xf32, #tpu.memory_space<vmem>>, vector<1x16xf32>,
        %get3A_224 = vector.shape_cast %get3A_223 : vector<1x16xf32> to vector<16xf32>
        %add3A_225 = arith.addf %add3A_216, %get3A_224 : vector<16xf32>
        %mul3A_226 = arith.constant 20 : i32
        %mul3A_227 = arith.muli %scan3A_136, %mul3A_226 : i32
        %add3A_228 = arith.constant 6 : i32
        %add3A_229 = arith.addi %mul3A_227, %add3A_228 : i32
        %get3A_230 = arith.index_cast %add3A_229 : i32 to index
        %get3A_231 = arith.constant 0 : index
        %get3A_232 = tpu.vector_load %arg16[%get3A_230, %get3A_231] {strides = array<i32>} : memref<640x64xf32, #tpu.memory_space<vmem>>, vector<1x16xf32>,
        %get3A_233 = vector.shape_cast %get3A_232 : vector<1x16xf32> to vector<16xf32>
        %add3A_234 = arith.addf %add3A_225, %get3A_233 : vector<16xf32>
        %mul3A_235 = arith.constant 20 : i32
        %mul3A_236 = arith.muli %scan3A_136, %mul3A_235 : i32
        %add3A_237 = arith.constant 7 : i32
        %add3A_238 = arith.addi %mul3A_236, %add3A_237 : i32
        %get3A_239 = arith.index_cast %add3A_238 : i32 to index
        %get3A_240 = arith.constant 0 : index
        %get3A_241 = tpu.vector_load %arg16[%get3A_239, %get3A_240] {strides = array<i32>} : memref<640x64xf32, #tpu.memory_space<vmem>>, vector<1x16xf32>,
        %get3A_242 = vector.shape_cast %get3A_241 : vector<1x16xf32> to vector<16xf32>
        %add3A_243 = arith.addf %add3A_234, %get3A_242 : vector<16xf32>
        %mul3A_244 = arith.constant 20 : i32
        %mul3A_245 = arith.muli %scan3A_136, %mul3A_244 : i32
        %add3A_246 = arith.constant 8 : i32
        %add3A_247 = arith.addi %mul3A_245, %add3A_246 : i32
        %get3A_248 = arith.index_cast %add3A_247 : i32 to index
        %get3A_249 = arith.constant 0 : index
        %get3A_250 = tpu.vector_load %arg16[%get3A_248, %get3A_249] {strides = array<i32>} : memref<640x64xf32, #tpu.memory_space<vmem>>, vector<1x16xf32>,
        %get3A_251 = vector.shape_cast %get3A_250 : vector<1x16xf32> to vector<16xf32>
        %add3A_252 = arith.addf %add3A_243, %get3A_251 : vector<16xf32>
        %mul3A_253 = arith.constant 20 : i32
        %mul3A_254 = arith.muli %scan3A_136, %mul3A_253 : i32
        %add3A_255 = arith.constant 9 : i32
        %add3A_256 = arith.addi %mul3A_254, %add3A_255 : i32
        %get3A_257 = arith.index_cast %add3A_256 : i32 to index
        %get3A_258 = arith.constant 0 : index
        %get3A_259 = tpu.vector_load %arg16[%get3A_257, %get3A_258] {strides = array<i32>} : memref<640x64xf32, #tpu.memory_space<vmem>>, vector<1x16xf32>,
        %get3A_260 = vector.shape_cast %get3A_259 : vector<1x16xf32> to vector<16xf32>
        %add3A_261 = arith.addf %add3A_252, %get3A_260 : vector<16xf32>
        %mul3A_262 = arith.constant 20 : i32
        %mul3A_263 = arith.muli %scan3A_136, %mul3A_262 : i32
        %add3A_264 = arith.constant 10 : i32
        %add3A_265 = arith.addi %mul3A_263, %add3A_264 : i32
        %get3A_266 = arith.index_cast %add3A_265 : i32 to index
        %get3A_267 = arith.constant 0 : index
        %get3A_268 = tpu.vector_load %arg16[%get3A_266, %get3A_267] {strides = array<i32>} : memref<640x64xf32, #tpu.memory_space<vmem>>, vector<1x16xf32>,
        %get3A_269 = vector.shape_cast %get3A_268 : vector<1x16xf32> to vector<16xf32>
        %add3A_270 = arith.addf %add3A_261, %get3A_269 : vector<16xf32>
        %mul3A_271 = arith.constant 20 : i32
        %mul3A_272 = arith.muli %scan3A_136, %mul3A_271 : i32
        %add3A_273 = arith.constant 11 : i32
        %add3A_274 = arith.addi %mul3A_272, %add3A_273 : i32
        %get3A_275 = arith.index_cast %add3A_274 : i32 to index
        %get3A_276 = arith.constant 0 : index
        %get3A_277 = tpu.vector_load %arg16[%get3A_275, %get3A_276] {strides = array<i32>} : memref<640x64xf32, #tpu.memory_space<vmem>>, vector<1x16xf32>,
        %get3A_278 = vector.shape_cast %get3A_277 : vector<1x16xf32> to vector<16xf32>
        %add3A_279 = arith.addf %add3A_270, %get3A_278 : vector<16xf32>
        %mul3A_280 = arith.constant 20 : i32
        %mul3A_281 = arith.muli %scan3A_136, %mul3A_280 : i32
        %add3A_282 = arith.constant 12 : i32
        %add3A_283 = arith.addi %mul3A_281, %add3A_282 : i32
        %get3A_284 = arith.index_cast %add3A_283 : i32 to index
        %get3A_285 = arith.constant 0 : index
        %get3A_286 = tpu.vector_load %arg16[%get3A_284, %get3A_285] {strides = array<i32>} : memref<640x64xf32, #tpu.memory_space<vmem>>, vector<1x16xf32>,
        %get3A_287 = vector.shape_cast %get3A_286 : vector<1x16xf32> to vector<16xf32>
        %add3A_288 = arith.addf %add3A_279, %get3A_287 : vector<16xf32>
        %mul3A_289 = arith.constant 20 : i32
        %mul3A_290 = arith.muli %scan3A_136, %mul3A_289 : i32
        %add3A_291 = arith.constant 13 : i32
        %add3A_292 = arith.addi %mul3A_290, %add3A_291 : i32
        %get3A_293 = arith.index_cast %add3A_292 : i32 to index
        %get3A_294 = arith.constant 0 : index
        %get3A_295 = tpu.vector_load %arg16[%get3A_293, %get3A_294] {strides = array<i32>} : memref<640x64xf32, #tpu.memory_space<vmem>>, vector<1x16xf32>,
        %get3A_296 = vector.shape_cast %get3A_295 : vector<1x16xf32> to vector<16xf32>
        %add3A_297 = arith.addf %add3A_288, %get3A_296 : vector<16xf32>
        %mul3A_298 = arith.constant 20 : i32
        %mul3A_299 = arith.muli %scan3A_136, %mul3A_298 : i32
        %add3A_300 = arith.constant 14 : i32
        %add3A_301 = arith.addi %mul3A_299, %add3A_300 : i32
        %get3A_302 = arith.index_cast %add3A_301 : i32 to index
        %get3A_303 = arith.constant 0 : index
        %get3A_304 = tpu.vector_load %arg16[%get3A_302, %get3A_303] {strides = array<i32>} : memref<640x64xf32, #tpu.memory_space<vmem>>, vector<1x16xf32>,
        %get3A_305 = vector.shape_cast %get3A_304 : vector<1x16xf32> to vector<16xf32>
        %add3A_306 = arith.addf %add3A_297, %get3A_305 : vector<16xf32>
        %mul3A_307 = arith.constant 20 : i32
        %mul3A_308 = arith.muli %scan3A_136, %mul3A_307 : i32
        %add3A_309 = arith.constant 15 : i32
        %add3A_310 = arith.addi %mul3A_308, %add3A_309 : i32
        %get3A_311 = arith.index_cast %add3A_310 : i32 to index
        %get3A_312 = arith.constant 0 : index
        %get3A_313 = tpu.vector_load %arg16[%get3A_311, %get3A_312] {strides = array<i32>} : memref<640x64xf32, #tpu.memory_space<vmem>>, vector<1x16xf32>,
        %get3A_314 = vector.shape_cast %get3A_313 : vector<1x16xf32> to vector<16xf32>
        %add3A_315 = arith.addf %add3A_306, %get3A_314 : vector<16xf32>
        %mul3A_316 = arith.constant 20 : i32
        %mul3A_317 = arith.muli %scan3A_136, %mul3A_316 : i32
        %add3A_318 = arith.constant 16 : i32
        %add3A_319 = arith.addi %mul3A_317, %add3A_318 : i32
        %get3A_320 = arith.index_cast %add3A_319 : i32 to index
        %get3A_321 = arith.constant 0 : index
        %get3A_322 = tpu.vector_load %arg16[%get3A_320, %get3A_321] {strides = array<i32>} : memref<640x64xf32, #tpu.memory_space<vmem>>, vector<1x16xf32>,
        %get3A_323 = vector.shape_cast %get3A_322 : vector<1x16xf32> to vector<16xf32>
        %add3A_324 = arith.addf %add3A_315, %get3A_323 : vector<16xf32>
        %mul3A_325 = arith.constant 20 : i32
        %mul3A_326 = arith.muli %scan3A_136, %mul3A_325 : i32
        %add3A_327 = arith.constant 17 : i32
        %add3A_328 = arith.addi %mul3A_326, %add3A_327 : i32
        %get3A_329 = arith.index_cast %add3A_328 : i32 to index
        %get3A_330 = arith.constant 0 : index
        %get3A_331 = tpu.vector_load %arg16[%get3A_329, %get3A_330] {strides = array<i32>} : memref<640x64xf32, #tpu.memory_space<vmem>>, vector<1x16xf32>,
        %get3A_332 = vector.shape_cast %get3A_331 : vector<1x16xf32> to vector<16xf32>
        %add3A_333 = arith.addf %add3A_324, %get3A_332 : vector<16xf32>
        %mul3A_334 = arith.constant 20 : i32
        %mul3A_335 = arith.muli %scan3A_136, %mul3A_334 : i32
        %add3A_336 = arith.constant 18 : i32
        %add3A_337 = arith.addi %mul3A_335, %add3A_336 : i32
        %get3A_338 = arith.index_cast %add3A_337 : i32 to index
        %get3A_339 = arith.constant 0 : index
        %get3A_340 = tpu.vector_load %arg16[%get3A_338, %get3A_339] {strides = array<i32>} : memref<640x64xf32, #tpu.memory_space<vmem>>, vector<1x16xf32>,
        %get3A_341 = vector.shape_cast %get3A_340 : vector<1x16xf32> to vector<16xf32>
        %add3A_342 = arith.addf %add3A_333, %get3A_341 : vector<16xf32>
        %mul3A_343 = arith.constant 20 : i32
        %mul3A_344 = arith.muli %scan3A_136, %mul3A_343 : i32
        %add3A_345 = arith.constant 19 : i32
        %add3A_346 = arith.addi %mul3A_344, %add3A_345 : i32
        %get3A_347 = arith.index_cast %add3A_346 : i32 to index
        %get3A_348 = arith.constant 0 : index
        %get3A_349 = tpu.vector_load %arg16[%get3A_347, %get3A_348] {strides = array<i32>} : memref<640x64xf32, #tpu.memory_space<vmem>>, vector<1x16xf32>,
        %get3A_350 = vector.shape_cast %get3A_349 : vector<1x16xf32> to vector<16xf32>
        %add3A_351 = arith.addf %add3A_342, %get3A_350 : vector<16xf32>
        %mul3A_352 = arith.mulf %add3A_351, %get3A_139 : vector<16xf32>
        %mul3A_353 = arith.constant 20 : i32
        %mul3A_354 = arith.muli %scan3A_136, %mul3A_353 : i32
        %get3A_355 = arith.index_cast %mul3A_354 : i32 to index
        %get3A_356 = arith.constant 16 : index
        %get3A_357 = tpu.vector_load %arg16[%get3A_355, %get3A_356] {strides = array<i32>} : memref<640x64xf32, #tpu.memory_space<vmem>>, vector<1x16xf32>,
        %get3A_358 = vector.shape_cast %get3A_357 : vector<1x16xf32> to vector<16xf32>
        %mul3A_359 = arith.constant 20 : i32
        %mul3A_360 = arith.muli %scan3A_136, %mul3A_359 : i32
        %add3A_361 = arith.constant 1 : i32
        %add3A_362 = arith.addi %mul3A_360, %add3A_361 : i32
        %get3A_363 = arith.index_cast %add3A_362 : i32 to index
        %get3A_364 = arith.constant 16 : index
        %get3A_365 = tpu.vector_load %arg16[%get3A_363, %get3A_364] {strides = array<i32>} : memref<640x64xf32, #tpu.memory_space<vmem>>, vector<1x16xf32>,
        %get3A_366 = vector.shape_cast %get3A_365 : vector<1x16xf32> to vector<16xf32>
        %add3A_367 = arith.addf %get3A_358, %get3A_366 : vector<16xf32>
        %mul3A_368 = arith.constant 20 : i32
        %mul3A_369 = arith.muli %scan3A_136, %mul3A_368 : i32
        %add3A_370 = arith.constant 2 : i32
        %add3A_371 = arith.addi %mul3A_369, %add3A_370 : i32
        %get3A_372 = arith.index_cast %add3A_371 : i32 to index
        %get3A_373 = arith.constant 16 : index
        %get3A_374 = tpu.vector_load %arg16[%get3A_372, %get3A_373] {strides = array<i32>} : memref<640x64xf32, #tpu.memory_space<vmem>>, vector<1x16xf32>,
        %get3A_375 = vector.shape_cast %get3A_374 : vector<1x16xf32> to vector<16xf32>
        %add3A_376 = arith.addf %add3A_367, %get3A_375 : vector<16xf32>
        %mul3A_377 = arith.constant 20 : i32
        %mul3A_378 = arith.muli %scan3A_136, %mul3A_377 : i32
        %add3A_379 = arith.constant 3 : i32
        %add3A_380 = arith.addi %mul3A_378, %add3A_379 : i32
        %get3A_381 = arith.index_cast %add3A_380 : i32 to index
        %get3A_382 = arith.constant 16 : index
        %get3A_383 = tpu.vector_load %arg16[%get3A_381, %get3A_382] {strides = array<i32>} : memref<640x64xf32, #tpu.memory_space<vmem>>, vector<1x16xf32>,
        %get3A_384 = vector.shape_cast %get3A_383 : vector<1x16xf32> to vector<16xf32>
        %add3A_385 = arith.addf %add3A_376, %get3A_384 : vector<16xf32>
        %mul3A_386 = arith.constant 20 : i32
        %mul3A_387 = arith.muli %scan3A_136, %mul3A_386 : i32
        %add3A_388 = arith.constant 4 : i32
        %add3A_389 = arith.addi %mul3A_387, %add3A_388 : i32
        %get3A_390 = arith.index_cast %add3A_389 : i32 to index
        %get3A_391 = arith.constant 16 : index
        %get3A_392 = tpu.vector_load %arg16[%get3A_390, %get3A_391] {strides = array<i32>} : memref<640x64xf32, #tpu.memory_space<vmem>>, vector<1x16xf32>,
        %get3A_393 = vector.shape_cast %get3A_392 : vector<1x16xf32> to vector<16xf32>
        %add3A_394 = arith.addf %add3A_385, %get3A_393 : vector<16xf32>
        %mul3A_395 = arith.constant 20 : i32
        %mul3A_396 = arith.muli %scan3A_136, %mul3A_395 : i32
        %add3A_397 = arith.constant 5 : i32
        %add3A_398 = arith.addi %mul3A_396, %add3A_397 : i32
        %get3A_399 = arith.index_cast %add3A_398 : i32 to index
        %get3A_400 = arith.constant 16 : index
        %get3A_401 = tpu.vector_load %arg16[%get3A_399, %get3A_400] {strides = array<i32>} : memref<640x64xf32, #tpu.memory_space<vmem>>, vector<1x16xf32>,
        %get3A_402 = vector.shape_cast %get3A_401 : vector<1x16xf32> to vector<16xf32>
        %add3A_403 = arith.addf %add3A_394, %get3A_402 : vector<16xf32>
        %mul3A_404 = arith.constant 20 : i32
        %mul3A_405 = arith.muli %scan3A_136, %mul3A_404 : i32
        %add3A_406 = arith.constant 6 : i32
        %add3A_407 = arith.addi %mul3A_405, %add3A_406 : i32
        %get3A_408 = arith.index_cast %add3A_407 : i32 to index
        %get3A_409 = arith.constant 16 : index
        %get3A_410 = tpu.vector_load %arg16[%get3A_408, %get3A_409] {strides = array<i32>} : memref<640x64xf32, #tpu.memory_space<vmem>>, vector<1x16xf32>,
        %get3A_411 = vector.shape_cast %get3A_410 : vector<1x16xf32> to vector<16xf32>
        %add3A_412 = arith.addf %add3A_403, %get3A_411 : vector<16xf32>
        %mul3A_413 = arith.constant 20 : i32
        %mul3A_414 = arith.muli %scan3A_136, %mul3A_413 : i32
        %add3A_415 = arith.constant 7 : i32
        %add3A_416 = arith.addi %mul3A_414, %add3A_415 : i32
        %get3A_417 = arith.index_cast %add3A_416 : i32 to index
        %get3A_418 = arith.constant 16 : index
        %get3A_419 = tpu.vector_load %arg16[%get3A_417, %get3A_418] {strides = array<i32>} : memref<640x64xf32, #tpu.memory_space<vmem>>, vector<1x16xf32>,
        %get3A_420 = vector.shape_cast %get3A_419 : vector<1x16xf32> to vector<16xf32>
        %add3A_421 = arith.addf %add3A_412, %get3A_420 : vector<16xf32>
        %mul3A_422 = arith.constant 20 : i32
        %mul3A_423 = arith.muli %scan3A_136, %mul3A_422 : i32
        %add3A_424 = arith.constant 8 : i32
        %add3A_425 = arith.addi %mul3A_423, %add3A_424 : i32
        %get3A_426 = arith.index_cast %add3A_425 : i32 to index
        %get3A_427 = arith.constant 16 : index
        %get3A_428 = tpu.vector_load %arg16[%get3A_426, %get3A_427] {strides = array<i32>} : memref<640x64xf32, #tpu.memory_space<vmem>>, vector<1x16xf32>,
        %get3A_429 = vector.shape_cast %get3A_428 : vector<1x16xf32> to vector<16xf32>
        %add3A_430 = arith.addf %add3A_421, %get3A_429 : vector<16xf32>
        %mul3A_431 = arith.constant 20 : i32
        %mul3A_432 = arith.muli %scan3A_136, %mul3A_431 : i32
        %add3A_433 = arith.constant 9 : i32
        %add3A_434 = arith.addi %mul3A_432, %add3A_433 : i32
        %get3A_435 = arith.index_cast %add3A_434 : i32 to index
        %get3A_436 = arith.constant 16 : index
        %get3A_437 = tpu.vector_load %arg16[%get3A_435, %get3A_436] {strides = array<i32>} : memref<640x64xf32, #tpu.memory_space<vmem>>, vector<1x16xf32>,
        %get3A_438 = vector.shape_cast %get3A_437 : vector<1x16xf32> to vector<16xf32>
        %add3A_439 = arith.addf %add3A_430, %get3A_438 : vector<16xf32>
        %mul3A_440 = arith.constant 20 : i32
        %mul3A_441 = arith.muli %scan3A_136, %mul3A_440 : i32
        %add3A_442 = arith.constant 10 : i32
        %add3A_443 = arith.addi %mul3A_441, %add3A_442 : i32
        %get3A_444 = arith.index_cast %add3A_443 : i32 to index
        %get3A_445 = arith.constant 16 : index
        %get3A_446 = tpu.vector_load %arg16[%get3A_444, %get3A_445] {strides = array<i32>} : memref<640x64xf32, #tpu.memory_space<vmem>>, vector<1x16xf32>,
        %get3A_447 = vector.shape_cast %get3A_446 : vector<1x16xf32> to vector<16xf32>
        %add3A_448 = arith.addf %add3A_439, %get3A_447 : vector<16xf32>
        %mul3A_449 = arith.constant 20 : i32
        %mul3A_450 = arith.muli %scan3A_136, %mul3A_449 : i32
        %add3A_451 = arith.constant 11 : i32
        %add3A_452 = arith.addi %mul3A_450, %add3A_451 : i32
        %get3A_453 = arith.index_cast %add3A_452 : i32 to index
        %get3A_454 = arith.constant 16 : index
        %get3A_455 = tpu.vector_load %arg16[%get3A_453, %get3A_454] {strides = array<i32>} : memref<640x64xf32, #tpu.memory_space<vmem>>, vector<1x16xf32>,
        %get3A_456 = vector.shape_cast %get3A_455 : vector<1x16xf32> to vector<16xf32>
        %add3A_457 = arith.addf %add3A_448, %get3A_456 : vector<16xf32>
        %mul3A_458 = arith.constant 20 : i32
        %mul3A_459 = arith.muli %scan3A_136, %mul3A_458 : i32
        %add3A_460 = arith.constant 12 : i32
        %add3A_461 = arith.addi %mul3A_459, %add3A_460 : i32
        %get3A_462 = arith.index_cast %add3A_461 : i32 to index
        %get3A_463 = arith.constant 16 : index
        %get3A_464 = tpu.vector_load %arg16[%get3A_462, %get3A_463] {strides = array<i32>} : memref<640x64xf32, #tpu.memory_space<vmem>>, vector<1x16xf32>,
        %get3A_465 = vector.shape_cast %get3A_464 : vector<1x16xf32> to vector<16xf32>
        %add3A_466 = arith.addf %add3A_457, %get3A_465 : vector<16xf32>
        %mul3A_467 = arith.constant 20 : i32
        %mul3A_468 = arith.muli %scan3A_136, %mul3A_467 : i32
        %add3A_469 = arith.constant 13 : i32
        %add3A_470 = arith.addi %mul3A_468, %add3A_469 : i32
        %get3A_471 = arith.index_cast %add3A_470 : i32 to index
        %get3A_472 = arith.constant 16 : index
        %get3A_473 = tpu.vector_load %arg16[%get3A_471, %get3A_472] {strides = array<i32>} : memref<640x64xf32, #tpu.memory_space<vmem>>, vector<1x16xf32>,
        %get3A_474 = vector.shape_cast %get3A_473 : vector<1x16xf32> to vector<16xf32>
        %add3A_475 = arith.addf %add3A_466, %get3A_474 : vector<16xf32>
        %mul3A_476 = arith.constant 20 : i32
        %mul3A_477 = arith.muli %scan3A_136, %mul3A_476 : i32
        %add3A_478 = arith.constant 14 : i32
        %add3A_479 = arith.addi %mul3A_477, %add3A_478 : i32
        %get3A_480 = arith.index_cast %add3A_479 : i32 to index
        %get3A_481 = arith.constant 16 : index
        %get3A_482 = tpu.vector_load %arg16[%get3A_480, %get3A_481] {strides = array<i32>} : memref<640x64xf32, #tpu.memory_space<vmem>>, vector<1x16xf32>,
        %get3A_483 = vector.shape_cast %get3A_482 : vector<1x16xf32> to vector<16xf32>
        %add3A_484 = arith.addf %add3A_475, %get3A_483 : vector<16xf32>
        %mul3A_485 = arith.constant 20 : i32
        %mul3A_486 = arith.muli %scan3A_136, %mul3A_485 : i32
        %add3A_487 = arith.constant 15 : i32
        %add3A_488 = arith.addi %mul3A_486, %add3A_487 : i32
        %get3A_489 = arith.index_cast %add3A_488 : i32 to index
        %get3A_490 = arith.constant 16 : index
        %get3A_491 = tpu.vector_load %arg16[%get3A_489, %get3A_490] {strides = array<i32>} : memref<640x64xf32, #tpu.memory_space<vmem>>, vector<1x16xf32>,
        %get3A_492 = vector.shape_cast %get3A_491 : vector<1x16xf32> to vector<16xf32>
        %add3A_493 = arith.addf %add3A_484, %get3A_492 : vector<16xf32>
        %mul3A_494 = arith.constant 20 : i32
        %mul3A_495 = arith.muli %scan3A_136, %mul3A_494 : i32
        %add3A_496 = arith.constant 16 : i32
        %add3A_497 = arith.addi %mul3A_495, %add3A_496 : i32
        %get3A_498 = arith.index_cast %add3A_497 : i32 to index
        %get3A_499 = arith.constant 16 : index
        %get3A_500 = tpu.vector_load %arg16[%get3A_498, %get3A_499] {strides = array<i32>} : memref<640x64xf32, #tpu.memory_space<vmem>>, vector<1x16xf32>,
        %get3A_501 = vector.shape_cast %get3A_500 : vector<1x16xf32> to vector<16xf32>
        %add3A_502 = arith.addf %add3A_493, %get3A_501 : vector<16xf32>
        %mul3A_503 = arith.constant 20 : i32
        %mul3A_504 = arith.muli %scan3A_136, %mul3A_503 : i32
        %add3A_505 = arith.constant 17 : i32
        %add3A_506 = arith.addi %mul3A_504, %add3A_505 : i32
        %get3A_507 = arith.index_cast %add3A_506 : i32 to index
        %get3A_508 = arith.constant 16 : index
        %get3A_509 = tpu.vector_load %arg16[%get3A_507, %get3A_508] {strides = array<i32>} : memref<640x64xf32, #tpu.memory_space<vmem>>, vector<1x16xf32>,
        %get3A_510 = vector.shape_cast %get3A_509 : vector<1x16xf32> to vector<16xf32>
        %add3A_511 = arith.addf %add3A_502, %get3A_510 : vector<16xf32>
        %mul3A_512 = arith.constant 20 : i32
        %mul3A_513 = arith.muli %scan3A_136, %mul3A_512 : i32
        %add3A_514 = arith.constant 18 : i32
        %add3A_515 = arith.addi %mul3A_513, %add3A_514 : i32
        %get3A_516 = arith.index_cast %add3A_515 : i32 to index
        %get3A_517 = arith.constant 16 : index
        %get3A_518 = tpu.vector_load %arg16[%get3A_516, %get3A_517] {strides = array<i32>} : memref<640x64xf32, #tpu.memory_space<vmem>>, vector<1x16xf32>,
        %get3A_519 = vector.shape_cast %get3A_518 : vector<1x16xf32> to vector<16xf32>
        %add3A_520 = arith.addf %add3A_511, %get3A_519 : vector<16xf32>
        %mul3A_521 = arith.constant 20 : i32
        %mul3A_522 = arith.muli %scan3A_136, %mul3A_521 : i32
        %add3A_523 = arith.constant 19 : i32
        %add3A_524 = arith.addi %mul3A_522, %add3A_523 : i32
        %get3A_525 = arith.index_cast %add3A_524 : i32 to index
        %get3A_526 = arith.constant 16 : index
        %get3A_527 = tpu.vector_load %arg16[%get3A_525, %get3A_526] {strides = array<i32>} : memref<640x64xf32, #tpu.memory_space<vmem>>, vector<1x16xf32>,
        %get3A_528 = vector.shape_cast %get3A_527 : vector<1x16xf32> to vector<16xf32>
        %add3A_529 = arith.addf %add3A_520, %get3A_528 : vector<16xf32>
        %mul3A_530 = arith.mulf %add3A_529, %get3A_143 : vector<16xf32>
        %add3A_531 = arith.addf %mul3A_352, %mul3A_530 : vector<16xf32>
        %mul3A_532 = arith.constant 20 : i32
        %mul3A_533 = arith.muli %scan3A_136, %mul3A_532 : i32
        %get3A_534 = arith.index_cast %mul3A_533 : i32 to index
        %get3A_535 = arith.constant 32 : index
        %get3A_536 = tpu.vector_load %arg16[%get3A_534, %get3A_535] {strides = array<i32>} : memref<640x64xf32, #tpu.memory_space<vmem>>, vector<1x16xf32>,
        %get3A_537 = vector.shape_cast %get3A_536 : vector<1x16xf32> to vector<16xf32>
        %mul3A_538 = arith.constant 20 : i32
        %mul3A_539 = arith.muli %scan3A_136, %mul3A_538 : i32
        %add3A_540 = arith.constant 1 : i32
        %add3A_541 = arith.addi %mul3A_539, %add3A_540 : i32
        %get3A_542 = arith.index_cast %add3A_541 : i32 to index
        %get3A_543 = arith.constant 32 : index
        %get3A_544 = tpu.vector_load %arg16[%get3A_542, %get3A_543] {strides = array<i32>} : memref<640x64xf32, #tpu.memory_space<vmem>>, vector<1x16xf32>,
        %get3A_545 = vector.shape_cast %get3A_544 : vector<1x16xf32> to vector<16xf32>
        %add3A_546 = arith.addf %get3A_537, %get3A_545 : vector<16xf32>
        %mul3A_547 = arith.constant 20 : i32
        %mul3A_548 = arith.muli %scan3A_136, %mul3A_547 : i32
        %add3A_549 = arith.constant 2 : i32
        %add3A_550 = arith.addi %mul3A_548, %add3A_549 : i32
        %get3A_551 = arith.index_cast %add3A_550 : i32 to index
        %get3A_552 = arith.constant 32 : index
        %get3A_553 = tpu.vector_load %arg16[%get3A_551, %get3A_552] {strides = array<i32>} : memref<640x64xf32, #tpu.memory_space<vmem>>, vector<1x16xf32>,
        %get3A_554 = vector.shape_cast %get3A_553 : vector<1x16xf32> to vector<16xf32>
        %add3A_555 = arith.addf %add3A_546, %get3A_554 : vector<16xf32>
        %mul3A_556 = arith.constant 20 : i32
        %mul3A_557 = arith.muli %scan3A_136, %mul3A_556 : i32
        %add3A_558 = arith.constant 3 : i32
        %add3A_559 = arith.addi %mul3A_557, %add3A_558 : i32
        %get3A_560 = arith.index_cast %add3A_559 : i32 to index
        %get3A_561 = arith.constant 32 : index
        %get3A_562 = tpu.vector_load %arg16[%get3A_560, %get3A_561] {strides = array<i32>} : memref<640x64xf32, #tpu.memory_space<vmem>>, vector<1x16xf32>,
        %get3A_563 = vector.shape_cast %get3A_562 : vector<1x16xf32> to vector<16xf32>
        %add3A_564 = arith.addf %add3A_555, %get3A_563 : vector<16xf32>
        %mul3A_565 = arith.constant 20 : i32
        %mul3A_566 = arith.muli %scan3A_136, %mul3A_565 : i32
        %add3A_567 = arith.constant 4 : i32
        %add3A_568 = arith.addi %mul3A_566, %add3A_567 : i32
        %get3A_569 = arith.index_cast %add3A_568 : i32 to index
        %get3A_570 = arith.constant 32 : index
        %get3A_571 = tpu.vector_load %arg16[%get3A_569, %get3A_570] {strides = array<i32>} : memref<640x64xf32, #tpu.memory_space<vmem>>, vector<1x16xf32>,
        %get3A_572 = vector.shape_cast %get3A_571 : vector<1x16xf32> to vector<16xf32>
        %add3A_573 = arith.addf %add3A_564, %get3A_572 : vector<16xf32>
        %mul3A_574 = arith.constant 20 : i32
        %mul3A_575 = arith.muli %scan3A_136, %mul3A_574 : i32
        %add3A_576 = arith.constant 5 : i32
        %add3A_577 = arith.addi %mul3A_575, %add3A_576 : i32
        %get3A_578 = arith.index_cast %add3A_577 : i32 to index
        %get3A_579 = arith.constant 32 : index
        %get3A_580 = tpu.vector_load %arg16[%get3A_578, %get3A_579] {strides = array<i32>} : memref<640x64xf32, #tpu.memory_space<vmem>>, vector<1x16xf32>,
        %get3A_581 = vector.shape_cast %get3A_580 : vector<1x16xf32> to vector<16xf32>
        %add3A_582 = arith.addf %add3A_573, %get3A_581 : vector<16xf32>
        %mul3A_583 = arith.constant 20 : i32
        %mul3A_584 = arith.muli %scan3A_136, %mul3A_583 : i32
        %add3A_585 = arith.constant 6 : i32
        %add3A_586 = arith.addi %mul3A_584, %add3A_585 : i32
        %get3A_587 = arith.index_cast %add3A_586 : i32 to index
        %get3A_588 = arith.constant 32 : index
        %get3A_589 = tpu.vector_load %arg16[%get3A_587, %get3A_588] {strides = array<i32>} : memref<640x64xf32, #tpu.memory_space<vmem>>, vector<1x16xf32>,
        %get3A_590 = vector.shape_cast %get3A_589 : vector<1x16xf32> to vector<16xf32>
        %add3A_591 = arith.addf %add3A_582, %get3A_590 : vector<16xf32>
        %mul3A_592 = arith.constant 20 : i32
        %mul3A_593 = arith.muli %scan3A_136, %mul3A_592 : i32
        %add3A_594 = arith.constant 7 : i32
        %add3A_595 = arith.addi %mul3A_593, %add3A_594 : i32
        %get3A_596 = arith.index_cast %add3A_595 : i32 to index
        %get3A_597 = arith.constant 32 : index
        %get3A_598 = tpu.vector_load %arg16[%get3A_596, %get3A_597] {strides = array<i32>} : memref<640x64xf32, #tpu.memory_space<vmem>>, vector<1x16xf32>,
        %get3A_599 = vector.shape_cast %get3A_598 : vector<1x16xf32> to vector<16xf32>
        %add3A_600 = arith.addf %add3A_591, %get3A_599 : vector<16xf32>
        %mul3A_601 = arith.constant 20 : i32
        %mul3A_602 = arith.muli %scan3A_136, %mul3A_601 : i32
        %add3A_603 = arith.constant 8 : i32
        %add3A_604 = arith.addi %mul3A_602, %add3A_603 : i32
        %get3A_605 = arith.index_cast %add3A_604 : i32 to index
        %get3A_606 = arith.constant 32 : index
        %get3A_607 = tpu.vector_load %arg16[%get3A_605, %get3A_606] {strides = array<i32>} : memref<640x64xf32, #tpu.memory_space<vmem>>, vector<1x16xf32>,
        %get3A_608 = vector.shape_cast %get3A_607 : vector<1x16xf32> to vector<16xf32>
        %add3A_609 = arith.addf %add3A_600, %get3A_608 : vector<16xf32>
        %mul3A_610 = arith.constant 20 : i32
        %mul3A_611 = arith.muli %scan3A_136, %mul3A_610 : i32
        %add3A_612 = arith.constant 9 : i32
        %add3A_613 = arith.addi %mul3A_611, %add3A_612 : i32
        %get3A_614 = arith.index_cast %add3A_613 : i32 to index
        %get3A_615 = arith.constant 32 : index
        %get3A_616 = tpu.vector_load %arg16[%get3A_614, %get3A_615] {strides = array<i32>} : memref<640x64xf32, #tpu.memory_space<vmem>>, vector<1x16xf32>,
        %get3A_617 = vector.shape_cast %get3A_616 : vector<1x16xf32> to vector<16xf32>
        %add3A_618 = arith.addf %add3A_609, %get3A_617 : vector<16xf32>
        %mul3A_619 = arith.constant 20 : i32
        %mul3A_620 = arith.muli %scan3A_136, %mul3A_619 : i32
        %add3A_621 = arith.constant 10 : i32
        %add3A_622 = arith.addi %mul3A_620, %add3A_621 : i32
        %get3A_623 = arith.index_cast %add3A_622 : i32 to index
        %get3A_624 = arith.constant 32 : index
        %get3A_625 = tpu.vector_load %arg16[%get3A_623, %get3A_624] {strides = array<i32>} : memref<640x64xf32, #tpu.memory_space<vmem>>, vector<1x16xf32>,
        %get3A_626 = vector.shape_cast %get3A_625 : vector<1x16xf32> to vector<16xf32>
        %add3A_627 = arith.addf %add3A_618, %get3A_626 : vector<16xf32>
        %mul3A_628 = arith.constant 20 : i32
        %mul3A_629 = arith.muli %scan3A_136, %mul3A_628 : i32
        %add3A_630 = arith.constant 11 : i32
        %add3A_631 = arith.addi %mul3A_629, %add3A_630 : i32
        %get3A_632 = arith.index_cast %add3A_631 : i32 to index
        %get3A_633 = arith.constant 32 : index
        %get3A_634 = tpu.vector_load %arg16[%get3A_632, %get3A_633] {strides = array<i32>} : memref<640x64xf32, #tpu.memory_space<vmem>>, vector<1x16xf32>,
        %get3A_635 = vector.shape_cast %get3A_634 : vector<1x16xf32> to vector<16xf32>
        %add3A_636 = arith.addf %add3A_627, %get3A_635 : vector<16xf32>
        %mul3A_637 = arith.constant 20 : i32
        %mul3A_638 = arith.muli %scan3A_136, %mul3A_637 : i32
        %add3A_639 = arith.constant 12 : i32
        %add3A_640 = arith.addi %mul3A_638, %add3A_639 : i32
        %get3A_641 = arith.index_cast %add3A_640 : i32 to index
        %get3A_642 = arith.constant 32 : index
        %get3A_643 = tpu.vector_load %arg16[%get3A_641, %get3A_642] {strides = array<i32>} : memref<640x64xf32, #tpu.memory_space<vmem>>, vector<1x16xf32>,
        %get3A_644 = vector.shape_cast %get3A_643 : vector<1x16xf32> to vector<16xf32>
        %add3A_645 = arith.addf %add3A_636, %get3A_644 : vector<16xf32>
        %mul3A_646 = arith.constant 20 : i32
        %mul3A_647 = arith.muli %scan3A_136, %mul3A_646 : i32
        %add3A_648 = arith.constant 13 : i32
        %add3A_649 = arith.addi %mul3A_647, %add3A_648 : i32
        %get3A_650 = arith.index_cast %add3A_649 : i32 to index
        %get3A_651 = arith.constant 32 : index
        %get3A_652 = tpu.vector_load %arg16[%get3A_650, %get3A_651] {strides = array<i32>} : memref<640x64xf32, #tpu.memory_space<vmem>>, vector<1x16xf32>,
        %get3A_653 = vector.shape_cast %get3A_652 : vector<1x16xf32> to vector<16xf32>
        %add3A_654 = arith.addf %add3A_645, %get3A_653 : vector<16xf32>
        %mul3A_655 = arith.constant 20 : i32
        %mul3A_656 = arith.muli %scan3A_136, %mul3A_655 : i32
        %add3A_657 = arith.constant 14 : i32
        %add3A_658 = arith.addi %mul3A_656, %add3A_657 : i32
        %get3A_659 = arith.index_cast %add3A_658 : i32 to index
        %get3A_660 = arith.constant 32 : index
        %get3A_661 = tpu.vector_load %arg16[%get3A_659, %get3A_660] {strides = array<i32>} : memref<640x64xf32, #tpu.memory_space<vmem>>, vector<1x16xf32>,
        %get3A_662 = vector.shape_cast %get3A_661 : vector<1x16xf32> to vector<16xf32>
        %add3A_663 = arith.addf %add3A_654, %get3A_662 : vector<16xf32>
        %mul3A_664 = arith.constant 20 : i32
        %mul3A_665 = arith.muli %scan3A_136, %mul3A_664 : i32
        %add3A_666 = arith.constant 15 : i32
        %add3A_667 = arith.addi %mul3A_665, %add3A_666 : i32
        %get3A_668 = arith.index_cast %add3A_667 : i32 to index
        %get3A_669 = arith.constant 32 : index
        %get3A_670 = tpu.vector_load %arg16[%get3A_668, %get3A_669] {strides = array<i32>} : memref<640x64xf32, #tpu.memory_space<vmem>>, vector<1x16xf32>,
        %get3A_671 = vector.shape_cast %get3A_670 : vector<1x16xf32> to vector<16xf32>
        %add3A_672 = arith.addf %add3A_663, %get3A_671 : vector<16xf32>
        %mul3A_673 = arith.constant 20 : i32
        %mul3A_674 = arith.muli %scan3A_136, %mul3A_673 : i32
        %add3A_675 = arith.constant 16 : i32
        %add3A_676 = arith.addi %mul3A_674, %add3A_675 : i32
        %get3A_677 = arith.index_cast %add3A_676 : i32 to index
        %get3A_678 = arith.constant 32 : index
        %get3A_679 = tpu.vector_load %arg16[%get3A_677, %get3A_678] {strides = array<i32>} : memref<640x64xf32, #tpu.memory_space<vmem>>, vector<1x16xf32>,
        %get3A_680 = vector.shape_cast %get3A_679 : vector<1x16xf32> to vector<16xf32>
        %add3A_681 = arith.addf %add3A_672, %get3A_680 : vector<16xf32>
        %mul3A_682 = arith.constant 20 : i32
        %mul3A_683 = arith.muli %scan3A_136, %mul3A_682 : i32
        %add3A_684 = arith.constant 17 : i32
        %add3A_685 = arith.addi %mul3A_683, %add3A_684 : i32
        %get3A_686 = arith.index_cast %add3A_685 : i32 to index
        %get3A_687 = arith.constant 32 : index
        %get3A_688 = tpu.vector_load %arg16[%get3A_686, %get3A_687] {strides = array<i32>} : memref<640x64xf32, #tpu.memory_space<vmem>>, vector<1x16xf32>,
        %get3A_689 = vector.shape_cast %get3A_688 : vector<1x16xf32> to vector<16xf32>
        %add3A_690 = arith.addf %add3A_681, %get3A_689 : vector<16xf32>
        %mul3A_691 = arith.constant 20 : i32
        %mul3A_692 = arith.muli %scan3A_136, %mul3A_691 : i32
        %add3A_693 = arith.constant 18 : i32
        %add3A_694 = arith.addi %mul3A_692, %add3A_693 : i32
        %get3A_695 = arith.index_cast %add3A_694 : i32 to index
        %get3A_696 = arith.constant 32 : index
        %get3A_697 = tpu.vector_load %arg16[%get3A_695, %get3A_696] {strides = array<i32>} : memref<640x64xf32, #tpu.memory_space<vmem>>, vector<1x16xf32>,
        %get3A_698 = vector.shape_cast %get3A_697 : vector<1x16xf32> to vector<16xf32>
        %add3A_699 = arith.addf %add3A_690, %get3A_698 : vector<16xf32>
        %mul3A_700 = arith.constant 20 : i32
        %mul3A_701 = arith.muli %scan3A_136, %mul3A_700 : i32
        %add3A_702 = arith.constant 19 : i32
        %add3A_703 = arith.addi %mul3A_701, %add3A_702 : i32
        %get3A_704 = arith.index_cast %add3A_703 : i32 to index
        %get3A_705 = arith.constant 32 : index
        %get3A_706 = tpu.vector_load %arg16[%get3A_704, %get3A_705] {strides = array<i32>} : memref<640x64xf32, #tpu.memory_space<vmem>>, vector<1x16xf32>,
        %get3A_707 = vector.shape_cast %get3A_706 : vector<1x16xf32> to vector<16xf32>
        %add3A_708 = arith.addf %add3A_699, %get3A_707 : vector<16xf32>
        %mul3A_709 = arith.mulf %add3A_708, %get3A_147 : vector<16xf32>
        %add3A_710 = arith.addf %add3A_531, %mul3A_709 : vector<16xf32>
        %mul3A_711 = arith.constant 20 : i32
        %mul3A_712 = arith.muli %scan3A_136, %mul3A_711 : i32
        %get3A_713 = arith.index_cast %mul3A_712 : i32 to index
        %get3A_714 = arith.constant 48 : index
        %get3A_715 = tpu.vector_load %arg16[%get3A_713, %get3A_714] {strides = array<i32>} : memref<640x64xf32, #tpu.memory_space<vmem>>, vector<1x16xf32>,
        %get3A_716 = vector.shape_cast %get3A_715 : vector<1x16xf32> to vector<16xf32>
        %mul3A_717 = arith.constant 20 : i32
        %mul3A_718 = arith.muli %scan3A_136, %mul3A_717 : i32
        %add3A_719 = arith.constant 1 : i32
        %add3A_720 = arith.addi %mul3A_718, %add3A_719 : i32
        %get3A_721 = arith.index_cast %add3A_720 : i32 to index
        %get3A_722 = arith.constant 48 : index
        %get3A_723 = tpu.vector_load %arg16[%get3A_721, %get3A_722] {strides = array<i32>} : memref<640x64xf32, #tpu.memory_space<vmem>>, vector<1x16xf32>,
        %get3A_724 = vector.shape_cast %get3A_723 : vector<1x16xf32> to vector<16xf32>
        %add3A_725 = arith.addf %get3A_716, %get3A_724 : vector<16xf32>
        %mul3A_726 = arith.constant 20 : i32
        %mul3A_727 = arith.muli %scan3A_136, %mul3A_726 : i32
        %add3A_728 = arith.constant 2 : i32
        %add3A_729 = arith.addi %mul3A_727, %add3A_728 : i32
        %get3A_730 = arith.index_cast %add3A_729 : i32 to index
        %get3A_731 = arith.constant 48 : index
        %get3A_732 = tpu.vector_load %arg16[%get3A_730, %get3A_731] {strides = array<i32>} : memref<640x64xf32, #tpu.memory_space<vmem>>, vector<1x16xf32>,
        %get3A_733 = vector.shape_cast %get3A_732 : vector<1x16xf32> to vector<16xf32>
        %add3A_734 = arith.addf %add3A_725, %get3A_733 : vector<16xf32>
        %mul3A_735 = arith.constant 20 : i32
        %mul3A_736 = arith.muli %scan3A_136, %mul3A_735 : i32
        %add3A_737 = arith.constant 3 : i32
        %add3A_738 = arith.addi %mul3A_736, %add3A_737 : i32
        %get3A_739 = arith.index_cast %add3A_738 : i32 to index
        %get3A_740 = arith.constant 48 : index
        %get3A_741 = tpu.vector_load %arg16[%get3A_739, %get3A_740] {strides = array<i32>} : memref<640x64xf32, #tpu.memory_space<vmem>>, vector<1x16xf32>,
        %get3A_742 = vector.shape_cast %get3A_741 : vector<1x16xf32> to vector<16xf32>
        %add3A_743 = arith.addf %add3A_734, %get3A_742 : vector<16xf32>
        %mul3A_744 = arith.constant 20 : i32
        %mul3A_745 = arith.muli %scan3A_136, %mul3A_744 : i32
        %add3A_746 = arith.constant 4 : i32
        %add3A_747 = arith.addi %mul3A_745, %add3A_746 : i32
        %get3A_748 = arith.index_cast %add3A_747 : i32 to index
        %get3A_749 = arith.constant 48 : index
        %get3A_750 = tpu.vector_load %arg16[%get3A_748, %get3A_749] {strides = array<i32>} : memref<640x64xf32, #tpu.memory_space<vmem>>, vector<1x16xf32>,
        %get3A_751 = vector.shape_cast %get3A_750 : vector<1x16xf32> to vector<16xf32>
        %add3A_752 = arith.addf %add3A_743, %get3A_751 : vector<16xf32>
        %mul3A_753 = arith.constant 20 : i32
        %mul3A_754 = arith.muli %scan3A_136, %mul3A_753 : i32
        %add3A_755 = arith.constant 5 : i32
        %add3A_756 = arith.addi %mul3A_754, %add3A_755 : i32
        %get3A_757 = arith.index_cast %add3A_756 : i32 to index
        %get3A_758 = arith.constant 48 : index
        %get3A_759 = tpu.vector_load %arg16[%get3A_757, %get3A_758] {strides = array<i32>} : memref<640x64xf32, #tpu.memory_space<vmem>>, vector<1x16xf32>,
        %get3A_760 = vector.shape_cast %get3A_759 : vector<1x16xf32> to vector<16xf32>
        %add3A_761 = arith.addf %add3A_752, %get3A_760 : vector<16xf32>
        %mul3A_762 = arith.constant 20 : i32
        %mul3A_763 = arith.muli %scan3A_136, %mul3A_762 : i32
        %add3A_764 = arith.constant 6 : i32
        %add3A_765 = arith.addi %mul3A_763, %add3A_764 : i32
        %get3A_766 = arith.index_cast %add3A_765 : i32 to index
        %get3A_767 = arith.constant 48 : index
        %get3A_768 = tpu.vector_load %arg16[%get3A_766, %get3A_767] {strides = array<i32>} : memref<640x64xf32, #tpu.memory_space<vmem>>, vector<1x16xf32>,
        %get3A_769 = vector.shape_cast %get3A_768 : vector<1x16xf32> to vector<16xf32>
        %add3A_770 = arith.addf %add3A_761, %get3A_769 : vector<16xf32>
        %mul3A_771 = arith.constant 20 : i32
        %mul3A_772 = arith.muli %scan3A_136, %mul3A_771 : i32
        %add3A_773 = arith.constant 7 : i32
        %add3A_774 = arith.addi %mul3A_772, %add3A_773 : i32
        %get3A_775 = arith.index_cast %add3A_774 : i32 to index
        %get3A_776 = arith.constant 48 : index
        %get3A_777 = tpu.vector_load %arg16[%get3A_775, %get3A_776] {strides = array<i32>} : memref<640x64xf32, #tpu.memory_space<vmem>>, vector<1x16xf32>,
        %get3A_778 = vector.shape_cast %get3A_777 : vector<1x16xf32> to vector<16xf32>
        %add3A_779 = arith.addf %add3A_770, %get3A_778 : vector<16xf32>
        %mul3A_780 = arith.constant 20 : i32
        %mul3A_781 = arith.muli %scan3A_136, %mul3A_780 : i32
        %add3A_782 = arith.constant 8 : i32
        %add3A_783 = arith.addi %mul3A_781, %add3A_782 : i32
        %get3A_784 = arith.index_cast %add3A_783 : i32 to index
        %get3A_785 = arith.constant 48 : index
        %get3A_786 = tpu.vector_load %arg16[%get3A_784, %get3A_785] {strides = array<i32>} : memref<640x64xf32, #tpu.memory_space<vmem>>, vector<1x16xf32>,
        %get3A_787 = vector.shape_cast %get3A_786 : vector<1x16xf32> to vector<16xf32>
        %add3A_788 = arith.addf %add3A_779, %get3A_787 : vector<16xf32>
        %mul3A_789 = arith.constant 20 : i32
        %mul3A_790 = arith.muli %scan3A_136, %mul3A_789 : i32
        %add3A_791 = arith.constant 9 : i32
        %add3A_792 = arith.addi %mul3A_790, %add3A_791 : i32
        %get3A_793 = arith.index_cast %add3A_792 : i32 to index
        %get3A_794 = arith.constant 48 : index
        %get3A_795 = tpu.vector_load %arg16[%get3A_793, %get3A_794] {strides = array<i32>} : memref<640x64xf32, #tpu.memory_space<vmem>>, vector<1x16xf32>,
        %get3A_796 = vector.shape_cast %get3A_795 : vector<1x16xf32> to vector<16xf32>
        %add3A_797 = arith.addf %add3A_788, %get3A_796 : vector<16xf32>
        %mul3A_798 = arith.constant 20 : i32
        %mul3A_799 = arith.muli %scan3A_136, %mul3A_798 : i32
        %add3A_800 = arith.constant 10 : i32
        %add3A_801 = arith.addi %mul3A_799, %add3A_800 : i32
        %get3A_802 = arith.index_cast %add3A_801 : i32 to index
        %get3A_803 = arith.constant 48 : index
        %get3A_804 = tpu.vector_load %arg16[%get3A_802, %get3A_803] {strides = array<i32>} : memref<640x64xf32, #tpu.memory_space<vmem>>, vector<1x16xf32>,
        %get3A_805 = vector.shape_cast %get3A_804 : vector<1x16xf32> to vector<16xf32>
        %add3A_806 = arith.addf %add3A_797, %get3A_805 : vector<16xf32>
        %mul3A_807 = arith.constant 20 : i32
        %mul3A_808 = arith.muli %scan3A_136, %mul3A_807 : i32
        %add3A_809 = arith.constant 11 : i32
        %add3A_810 = arith.addi %mul3A_808, %add3A_809 : i32
        %get3A_811 = arith.index_cast %add3A_810 : i32 to index
        %get3A_812 = arith.constant 48 : index
        %get3A_813 = tpu.vector_load %arg16[%get3A_811, %get3A_812] {strides = array<i32>} : memref<640x64xf32, #tpu.memory_space<vmem>>, vector<1x16xf32>,
        %get3A_814 = vector.shape_cast %get3A_813 : vector<1x16xf32> to vector<16xf32>
        %add3A_815 = arith.addf %add3A_806, %get3A_814 : vector<16xf32>
        %mul3A_816 = arith.constant 20 : i32
        %mul3A_817 = arith.muli %scan3A_136, %mul3A_816 : i32
        %add3A_818 = arith.constant 12 : i32
        %add3A_819 = arith.addi %mul3A_817, %add3A_818 : i32
        %get3A_820 = arith.index_cast %add3A_819 : i32 to index
        %get3A_821 = arith.constant 48 : index
        %get3A_822 = tpu.vector_load %arg16[%get3A_820, %get3A_821] {strides = array<i32>} : memref<640x64xf32, #tpu.memory_space<vmem>>, vector<1x16xf32>,
        %get3A_823 = vector.shape_cast %get3A_822 : vector<1x16xf32> to vector<16xf32>
        %add3A_824 = arith.addf %add3A_815, %get3A_823 : vector<16xf32>
        %mul3A_825 = arith.constant 20 : i32
        %mul3A_826 = arith.muli %scan3A_136, %mul3A_825 : i32
        %add3A_827 = arith.constant 13 : i32
        %add3A_828 = arith.addi %mul3A_826, %add3A_827 : i32
        %get3A_829 = arith.index_cast %add3A_828 : i32 to index
        %get3A_830 = arith.constant 48 : index
        %get3A_831 = tpu.vector_load %arg16[%get3A_829, %get3A_830] {strides = array<i32>} : memref<640x64xf32, #tpu.memory_space<vmem>>, vector<1x16xf32>,
        %get3A_832 = vector.shape_cast %get3A_831 : vector<1x16xf32> to vector<16xf32>
        %add3A_833 = arith.addf %add3A_824, %get3A_832 : vector<16xf32>
        %mul3A_834 = arith.constant 20 : i32
        %mul3A_835 = arith.muli %scan3A_136, %mul3A_834 : i32
        %add3A_836 = arith.constant 14 : i32
        %add3A_837 = arith.addi %mul3A_835, %add3A_836 : i32
        %get3A_838 = arith.index_cast %add3A_837 : i32 to index
        %get3A_839 = arith.constant 48 : index
        %get3A_840 = tpu.vector_load %arg16[%get3A_838, %get3A_839] {strides = array<i32>} : memref<640x64xf32, #tpu.memory_space<vmem>>, vector<1x16xf32>,
        %get3A_841 = vector.shape_cast %get3A_840 : vector<1x16xf32> to vector<16xf32>
        %add3A_842 = arith.addf %add3A_833, %get3A_841 : vector<16xf32>
        %mul3A_843 = arith.constant 20 : i32
        %mul3A_844 = arith.muli %scan3A_136, %mul3A_843 : i32
        %add3A_845 = arith.constant 15 : i32
        %add3A_846 = arith.addi %mul3A_844, %add3A_845 : i32
        %get3A_847 = arith.index_cast %add3A_846 : i32 to index
        %get3A_848 = arith.constant 48 : index
        %get3A_849 = tpu.vector_load %arg16[%get3A_847, %get3A_848] {strides = array<i32>} : memref<640x64xf32, #tpu.memory_space<vmem>>, vector<1x16xf32>,
        %get3A_850 = vector.shape_cast %get3A_849 : vector<1x16xf32> to vector<16xf32>
        %add3A_851 = arith.addf %add3A_842, %get3A_850 : vector<16xf32>
        %mul3A_852 = arith.constant 20 : i32
        %mul3A_853 = arith.muli %scan3A_136, %mul3A_852 : i32
        %add3A_854 = arith.constant 16 : i32
        %add3A_855 = arith.addi %mul3A_853, %add3A_854 : i32
        %get3A_856 = arith.index_cast %add3A_855 : i32 to index
        %get3A_857 = arith.constant 48 : index
        %get3A_858 = tpu.vector_load %arg16[%get3A_856, %get3A_857] {strides = array<i32>} : memref<640x64xf32, #tpu.memory_space<vmem>>, vector<1x16xf32>,
        %get3A_859 = vector.shape_cast %get3A_858 : vector<1x16xf32> to vector<16xf32>
        %add3A_860 = arith.addf %add3A_851, %get3A_859 : vector<16xf32>
        %mul3A_861 = arith.constant 20 : i32
        %mul3A_862 = arith.muli %scan3A_136, %mul3A_861 : i32
        %add3A_863 = arith.constant 17 : i32
        %add3A_864 = arith.addi %mul3A_862, %add3A_863 : i32
        %get3A_865 = arith.index_cast %add3A_864 : i32 to index
        %get3A_866 = arith.constant 48 : index
        %get3A_867 = tpu.vector_load %arg16[%get3A_865, %get3A_866] {strides = array<i32>} : memref<640x64xf32, #tpu.memory_space<vmem>>, vector<1x16xf32>,
        %get3A_868 = vector.shape_cast %get3A_867 : vector<1x16xf32> to vector<16xf32>
        %add3A_869 = arith.addf %add3A_860, %get3A_868 : vector<16xf32>
        %mul3A_870 = arith.constant 20 : i32
        %mul3A_871 = arith.muli %scan3A_136, %mul3A_870 : i32
        %add3A_872 = arith.constant 18 : i32
        %add3A_873 = arith.addi %mul3A_871, %add3A_872 : i32
        %get3A_874 = arith.index_cast %add3A_873 : i32 to index
        %get3A_875 = arith.constant 48 : index
        %get3A_876 = tpu.vector_load %arg16[%get3A_874, %get3A_875] {strides = array<i32>} : memref<640x64xf32, #tpu.memory_space<vmem>>, vector<1x16xf32>,
        %get3A_877 = vector.shape_cast %get3A_876 : vector<1x16xf32> to vector<16xf32>
        %add3A_878 = arith.addf %add3A_869, %get3A_877 : vector<16xf32>
        %mul3A_879 = arith.constant 20 : i32
        %mul3A_880 = arith.muli %scan3A_136, %mul3A_879 : i32
        %add3A_881 = arith.constant 19 : i32
        %add3A_882 = arith.addi %mul3A_880, %add3A_881 : i32
        %get3A_883 = arith.index_cast %add3A_882 : i32 to index
        %get3A_884 = arith.constant 48 : index
        %get3A_885 = tpu.vector_load %arg16[%get3A_883, %get3A_884] {strides = array<i32>} : memref<640x64xf32, #tpu.memory_space<vmem>>, vector<1x16xf32>,
        %get3A_886 = vector.shape_cast %get3A_885 : vector<1x16xf32> to vector<16xf32>
        %add3A_887 = arith.addf %add3A_878, %get3A_886 : vector<16xf32>
        %mul3A_888 = arith.mulf %add3A_887, %get3A_151 : vector<16xf32>
        %add3A_889 = arith.addf %add3A_710, %mul3A_888 : vector<16xf32>
        %mul3A_890 = arith.constant 32 : i32
        %mul3A_891 = arith.muli %add3A_104, %mul3A_890 : i32
        %add3A_892 = arith.addi %mul3A_891, %scan3A_136 : i32
        %swap3A = arith.index_cast %add3A_892 : i32 to index
        %swap3A_893 = arith.constant 0 : index
        %swap3A_894 = tpu.vector_load %arg17[%swap3A, %swap3A_893] {strides = array<i32>} : memref<512x32xf32, #tpu.memory_space<vmem>>, vector<1x16xf32>,
        %swap3A_895 = vector.shape_cast %swap3A_894 : vector<1x16xf32> to vector<16xf32>
        %swap3A_896 = vector.shape_cast %add3A_174 : vector<16xf32> to vector<1x16xf32>
        tpu.vector_store %arg17[%swap3A, %swap3A_893], %swap3A_896 {strides = array<i32>} : memref<512x32xf32, #tpu.memory_space<vmem>>, vector<1x16xf32>,
        %swap3A_897 = arith.index_cast %add3A_892 : i32 to index
        %swap3A_898 = arith.constant 16 : index
        %swap3A_899 = tpu.vector_load %arg17[%swap3A_897, %swap3A_898] {strides = array<i32>} : memref<512x32xf32, #tpu.memory_space<vmem>>, vector<1x16xf32>,
        %swap3A_900 = vector.shape_cast %swap3A_899 : vector<1x16xf32> to vector<16xf32>
        %swap3A_901 = vector.shape_cast %add3A_889 : vector<16xf32> to vector<1x16xf32>
        tpu.vector_store %arg17[%swap3A_897, %swap3A_898], %swap3A_901 {strides = array<i32>} : memref<512x32xf32, #tpu.memory_space<vmem>>, vector<1x16xf32>,
      }
      %scan3A_135 = arith.constant 32 : i32
    }
    %scan3A_68 = arith.constant 8 : i32
    "tpu.region"() ({
      %run_scoped3A = tpu.sem_alloc : memref<!tpu.dma_semaphore, #tpu.memory_space<semaphore_mem>>
      %dma_start3A_69 = arith.constant 0 : i32
      %dma_start3A_70 = tpu.memref_slice %arg7[%mul3A_2, %dma_start3A_69] : memref<16384x32xf32, #tpu.memory_space<hbm>> -> memref<512x32xf32, #tpu.memory_space<hbm>>
      %dma_start3A_71 = arith.constant 0 : i32
      %dma_start3A_72 = tpu.memref_slice %arg7[%mul3A_2, %dma_start3A_71] : memref<16384x32xf32, #tpu.memory_space<hbm>> -> memref<512x32xf32, #tpu.memory_space<hbm>>
      tpu.enqueue_dma source(%arg17 : memref<512x32xf32, #tpu.memory_space<vmem>>) target(%dma_start3A_72 : memref<512x32xf32, #tpu.memory_space<hbm>>) target_semaphore(%run_scoped3A : memref<!tpu.dma_semaphore, #tpu.memory_space<semaphore_mem>>)
      %dma_wait3A = arith.constant 0 : i32
      %dma_wait3A_73 = tpu.memref_slice %arg7[%mul3A_2, %dma_wait3A] : memref<16384x32xf32, #tpu.memory_space<hbm>> -> memref<512x32xf32, #tpu.memory_space<hbm>>
      %dma_wait3A_74 = arith.constant 0 : i32
      %dma_wait3A_75 = tpu.memref_slice %arg7[%mul3A_2, %dma_wait3A_74] : memref<16384x32xf32, #tpu.memory_space<hbm>> -> memref<512x32xf32, #tpu.memory_space<hbm>>
      tpu.wait_dma2 semaphore(%run_scoped3A : memref<!tpu.dma_semaphore, #tpu.memory_space<semaphore_mem>>) src(%arg17 : memref<512x32xf32, #tpu.memory_space<vmem>>) dst(%dma_wait3A_75 : memref<512x32xf32, #tpu.memory_space<hbm>>)
      tpu.yield
    }) : () -> ()
    return
  }
}

module attributes {stable_mosaic.version = 14 : i64} {
  func.func @_finish_body(%arg0: memref<16384x32xf32, #tpu.memory_space<vmem>>, %arg1: memref<1x1xf32, #tpu.memory_space<vmem>>) attributes {dimension_semantics = [], scalar_prefetch = 0 : i64, scratch_operands = 0 : i64, tpu.core_type = #tpu.core_type<tc>} {
    %get3A = arith.constant 0 : index
    %get3A_0 = arith.constant 0 : index
    %get3A_1 = vector.load %arg0[%get3A, %get3A_0] : memref<16384x32xf32, #tpu.memory_space<vmem>>, vector<16384x32xf32>
    %slice3A = vector.extract_strided_slice %get3A_1 {offsets = [0, 0], sizes = [16384, 16], strides = [1, 1]} : vector<16384x32xf32> to vector<16384x16xf32>
    %reduce_sum3A = arith.constant dense<0.000000e+00> : vector<16384xf32>
    %reduce_sum3A_2 = vector.multi_reduction <add>, %slice3A, %reduce_sum3A [1] : vector<16384x16xf32> to vector<16384xf32>
    %slice3A_3 = vector.extract_strided_slice %get3A_1 {offsets = [0, 16], sizes = [16384, 16], strides = [1, 1]} : vector<16384x32xf32> to vector<16384x16xf32>
    %reduce_sum3A_4 = arith.constant dense<0.000000e+00> : vector<16384xf32>
    %reduce_sum3A_5 = vector.multi_reduction <add>, %slice3A_3, %reduce_sum3A_4 [1] : vector<16384x16xf32> to vector<16384xf32>
    %min3A = arith.constant 0.000000e+00 : f32
    %min3A_6 = vector.broadcast %min3A : f32 to vector<16384xf32>
    %min3A_7 = arith.minimumf %reduce_sum3A_2, %min3A_6 : vector<16384xf32>
    %abs3A = math.absf %reduce_sum3A_2 : vector<16384xf32>
    %neg3A = arith.constant 0.000000e+00 : f32
    %neg3A_8 = vector.broadcast %neg3A : f32 to vector<16384xf32>
    %neg3A_9 = arith.subf %neg3A_8, %abs3A : vector<16384xf32>
    %exp3A = math.exp %neg3A_9 : vector<16384xf32>
    %log1p3A = math.log1p %exp3A : vector<16384xf32>
    %sub3A = arith.subf %min3A_7, %log1p3A : vector<16384xf32>
    %neg3A_10 = arith.constant 0.000000e+00 : f32
    %neg3A_11 = vector.broadcast %neg3A_10 : f32 to vector<16384xf32>
    %neg3A_12 = arith.subf %neg3A_11, %reduce_sum3A_5 : vector<16384xf32>
    %min3A_13 = arith.constant 0.000000e+00 : f32
    %min3A_14 = vector.broadcast %min3A_13 : f32 to vector<16384xf32>
    %min3A_15 = arith.minimumf %neg3A_12, %min3A_14 : vector<16384xf32>
    %abs3A_16 = math.absf %neg3A_12 : vector<16384xf32>
    %neg3A_17 = arith.constant 0.000000e+00 : f32
    %neg3A_18 = vector.broadcast %neg3A_17 : f32 to vector<16384xf32>
    %neg3A_19 = arith.subf %neg3A_18, %abs3A_16 : vector<16384xf32>
    %exp3A_20 = math.exp %neg3A_19 : vector<16384xf32>
    %log1p3A_21 = math.log1p %exp3A_20 : vector<16384xf32>
    %sub3A_22 = arith.subf %min3A_15, %log1p3A_21 : vector<16384xf32>
    %add3A = arith.addf %sub3A, %sub3A_22 : vector<16384xf32>
    %reduce_sum3A_23 = vector.shape_cast %add3A : vector<16384xf32> to vector<1x16384xf32>
    %reduce_sum3A_24 = arith.constant dense<0.000000e+00> : vector<1xf32>
    %reduce_sum3A_25 = vector.multi_reduction <add>, %reduce_sum3A_23, %reduce_sum3A_24 [1] : vector<1x16384xf32> to vector<1xf32>
    %reduce_sum3A_26 = vector.shape_cast %reduce_sum3A_25 : vector<1xf32> to vector<1x1xf32>
    %reduce_sum3A_27 = vector.extract %reduce_sum3A_26[0, 0] : f32 from vector<1x1xf32>
    %div3A = arith.constant 1.638400e+04 : f32
    %div3A_28 = arith.divf %reduce_sum3A_27, %div3A : f32
    %neg3A_29 = arith.constant 0.000000e+00 : f32
    %neg3A_30 = arith.subf %neg3A_29, %div3A_28 : f32
    %broadcast_in_dim3A = vector.broadcast %neg3A_30 : f32 to vector<1x1xf32>
    %swap3A = arith.constant 0 : index
    %swap3A_31 = arith.constant 0 : index
    %swap3A_32 = vector.load %arg1[%swap3A, %swap3A_31] : memref<1x1xf32, #tpu.memory_space<vmem>>, vector<1x1xf32>
    tpu.vector_store %arg1[%swap3A, %swap3A_31], %broadcast_in_dim3A {strides = array<i32>} : memref<1x1xf32, #tpu.memory_space<vmem>>, vector<1x1xf32>,
    return
  }
}

</mosaic_0001>

<sc_bundles>
// kernel: kernel.4.cloned.1.call-start
scs
__scs_entry_jumppad:
0x0: {  	(pc) =	sbr.rel $0x88, $3  }
0x1: {  	(tag) =	ssettag $0x0;
	lr =	simm.s32 $0x1  }
0x2: {  	[smem:$0x3F9C] =	sst lr;
	_ =	strace $0xD0000000  }
0x3: {  	_ = 	snop  }
0x4: {  	_ = 	snop  }
0x5: {  	_ = 	snop  }
0x6: {  	_ = 	snop  }
0x7: {  	_ = 	snop  }
__scs_overlays_trampoline_lowered:
0x8: {  	[smem:$0x3FAB] =	sst s0  }
0x9: {  	[smem:$0x3FAC] =	sst s1  }
0xa: {  	[smem:$0x3FAD] =	sst s2  }
0xb: {  	[smem:$0x3FAE] =	sst s3  }
0xc: {  	[smem:$0x3FAF] =	sst s4  }
0xd: {  	[smem:$0x3FB0] =	sst s5  }
0xe: {  	[smem:$0x3FB1] =	sst s6  }
0xf: {  	[smem:$0x3FB2] =	sst s7  }
0x10: {  	[smem:$0x3FB3] =	sst s8  }
0x11: {  	[smem:$0x3FB4] =	sst s9;
	s0 =	simm.s32 @!p0 $0x0  }
0x12: {  	s1 =	sld [smem:$0x3F9A];
	s0 =	simm.s32 @p0 $0x1  }
0x13: {  	[smem:$0x3FB5] =	sst s0;
	s0 =	simm.s32 @!p1 $0x0  }
0x14: {  	s2 =	sld [smem:$0x3F99];
	s0 =	simm.s32 @p1 $0x1  }
0x15: {  	[smem:$0x3FB6] =	sst s0;
	s0 =	simm.s32 @!p2 $0x0  }
0x16: {  	s3 =	sld [smem:$0x3FDB];
	s0 =	simm.s32 @p2 $0x1  }
0x17: {  	s4 =	simm.s32 $0x1BF5;
	[smem:$0x3FB8] =	sst s0  }
0x18: {  	s0 =	sld [smem:$0x3F9B];
	_ =	swait.ge [sflag:s4], $0x0  }
0x19: {  	s7 =	sld [smem:$0x3F9C]  }
0x1a: {  	s8 =	sadd.s32 $0xFFFFE003, lr  }
0x1b: {  	s9 =	sadd.s32 $0xFFFFFEF7, lr;
	s5 =	simm.s32 $0xFFFFFFFF;
	p2 =	slt.u32 s8, $0xFFFFF086  }
0x1c: {  	p1 =	slt.u32 s9, $0xF7A;
	s5 =	simm.s32 @!p2 $0x0  }
0x1d: {  	s5 =	simm.s32 @p1 $0x1;
	p0 =	seq.s32 s7, s2  }
0x1e: {  	s7 =	smul.u32 @!p0 $0xF7A, s2;
	p2 =	seq.s32 @!p0 s5, $0x0  }
0x1f: {  	s9 =	smul.u32 $0xF7A, s1;
	s8 =	simm.s32 @!p0 $0x1BF5;
	p2 =	por !p2, p0  }
0x20: {  	[sflag:s8] =	ssyncset.s32 @!p0 $0xFFFFF086;
	s6 =	sadd.s32 @!p0 s3, s7;
	s7 =	simm.s32 @!p0 $0x108  }
0x21: {  	s3 =	sadd.s32 s3, s9;
	s6 =	sadd.s32 @!p0 $0x88, s6;
	s7 =	simm.s32 @p2 $0x1082  }
0x22: {  	[simem:s7], [sflag:s8] =	dma.local @!p0 [hbm:s6], $0xF7A  }
0x23: {  	s9 =	sor.u32 $0xD0000000, s2;
	s6 =	simm.s32 $0x108;
	_ =	swait.ge @!p0 [sflag:s8], $0x0  }
0x24: {  	s3 =	sadd.s32 $0x88, s3;
	s6 =	simm.s32 @!p1 $0x1082;
	[sflag:s4] =	ssyncset.s32 $0xFFFFF086  }
0x25: {  	[simem:s6], [sflag:s4] =	dma.local [hbm:s3], $0xF7A  }
0x26: {  	[smem:$0x3F9C] =	sst s1;
	(tag) =	ssettag s2;
	_ =	strace s9  }
0x27: {  	s1 =	sld [smem:$0x3FAC]  }
0x28: {  	s2 =	sld [smem:$0x3FAD]  }
0x29: {  	s4 =	sld [smem:$0x3FAF]  }
0x2a: {  	p0 =	seq.s32 s5, $0x0;
	s5 =	sld [smem:$0x3FB0]  }
0x2b: {  	s6 =	sld [smem:$0x3FB1]  }
0x2c: {  	s7 =	sld [smem:$0x3FB2]  }
0x2d: {  	s3 =	simm.s32 $0x108;
	s8 =	sld [smem:$0x3FB3]  }
0x2e: {  	s3 =	simm.s32 @!p0 $0x1082;
	s9 =	sld [smem:$0x3FB4]  }
0x2f: {  	lr =	sadd.s32 s0, s3;
	s0 =	sld [smem:$0x3FAB]  }
0x30: {  	s3 =	sld [smem:$0x3FAE]  }
0x31: {  	[smem:$0x3FB7] =	sst s10  }
0x32: {  	s10 =	sld [smem:$0x3FB5];
	_ =	sdelay $0x3  }
0x33: {  	p0 =	seq.s32 s10, $0x1;
	s10 =	sld [smem:$0x3FB7];
	_ =	sdelay $0x3  }
0x34: {  	[smem:$0x3FB7] =	sst s10  }
0x35: {  	s10 =	sld [smem:$0x3FB6];
	_ =	sdelay $0x3  }
0x36: {  	p1 =	seq.s32 s10, $0x1;
	s10 =	sld [smem:$0x3FB7];
	_ =	sdelay $0x3  }
0x37: {  	[smem:$0x3FB7] =	sst s10  }
0x38: {  	s10 =	sld [smem:$0x3FB8]  }
0x39: {  	_ = 	snop;
	(pc) =	sbr.ind lr, $3  }
0x3a: {  	_ = 	snop  }
0x3b: {  	_ = 	snop  }
0x3c: {  	p2 =	seq.s32 s10, $0x1;
	s10 =	sld [smem:$0x3FB7]  }
0x3d: {  	_ =	shalt  }
0x3e: {  	_ =	shalt  }
0x3f: {  	_ =	shalt  }
0x40: {  	_ =	shalt  }
0x41: {  	_ =	shalt  }
0x42: {  	_ =	shalt  }
0x43: {  	_ =	shalt  }
0x44: {  	_ =	shalt  }
0x45: {  	_ =	shalt  }
0x46: {  	_ =	shalt  }
0x47: {  	_ =	shalt  }
0x48: {  	_ =	shalt  }
0x49: {  	_ =	shalt  }
0x4a: {  	_ =	shalt  }
0x4b: {  	_ =	shalt  }
0x4c: {  	_ =	shalt  }
0x4d: {  	_ =	shalt  }
0x4e: {  	_ =	shalt  }
0x4f: {  	_ =	shalt  }
0x50: {  	_ =	shalt  }
0x51: {  	_ =	shalt  }
0x52: {  	_ =	shalt  }
0x53: {  	_ =	shalt  }
0x54: {  	_ =	shalt  }
0x55: {  	_ =	shalt  }
0x56: {  	_ =	shalt  }
0x57: {  	_ =	shalt  }
0x58: {  	_ =	shalt  }
0x59: {  	_ =	shalt  }
0x5a: {  	_ =	shalt  }
0x5b: {  	_ =	shalt  }
0x5c: {  	_ =	shalt  }
0x5d: {  	_ =	shalt  }
0x5e: {  	_ =	shalt  }
0x5f: {  	_ =	shalt  }
0x60: {  	_ =	shalt  }
0x61: {  	_ =	shalt  }
0x62: {  	_ =	shalt  }
0x63: {  	_ =	shalt  }
0x64: {  	_ =	shalt  }
0x65: {  	_ =	shalt  }
0x66: {  	_ =	shalt  }
0x67: {  	_ =	shalt  }
0x68: {  	_ =	shalt  }
0x69: {  	_ =	shalt  }
0x6a: {  	_ =	shalt  }
0x6b: {  	_ =	shalt  }
0x6c: {  	_ =	shalt  }
0x6d: {  	_ =	shalt  }
0x6e: {  	_ =	shalt  }
0x6f: {  	_ =	shalt  }
0x70: {  	_ =	shalt  }
0x71: {  	_ =	shalt  }
0x72: {  	_ =	shalt  }
0x73: {  	_ =	shalt  }
0x74: {  	_ =	shalt  }
0x75: {  	_ =	shalt  }
0x76: {  	_ =	shalt  }
0x77: {  	_ =	shalt  }
0x78: {  	_ =	shalt  }
0x79: {  	_ =	shalt  }
0x7a: {  	_ =	shalt  }
0x7b: {  	_ =	shalt  }
0x7c: {  	_ =	shalt  }
0x7d: {  	_ =	shalt  }
0x7e: {  	_ =	shalt  }
0x7f: {  	_ =	shalt  }
0x80: {  	_ =	shalt  }
0x81: {  	_ =	shalt  }
0x82: {  	_ =	shalt  }
0x83: {  	_ =	shalt  }
0x84: {  	_ =	shalt  }
0x85: {  	_ =	shalt  }
0x86: {  	_ =	shalt  }
0x87: {  	_ =	shalt  }
.Lfunc_end0:
.L_simem_size_0:
called_computation_lowered:
.L_overlay_start_0:
0x88: {  	s2 =	sld [smem:$0x3FD9]  }
0x89: {  	s3 =	sld [smem:$0x3FFE];
	_ =	sdelay $0x1  }
0x8a: {  	s1 =	srdreg.scid  }
0x8b: {  	s0 =	sand.u32 $0x1, s1  }
0x8c: {  	s17 =	sshll.u32 s0, $0xA;
	s2 =	sadd.s32 s3, s2  }
0x8d: {  	s2 =	sadd.s32 s2, s17  }
0x8e: {  	[smem:$0x3FC3] =	sst s2  }
0x8f: {  	_ = 	snop  }
0x90: {  	s2 =	sld [smem:$0x3FC9]  }
0x91: {  	s18 =	sld [smem:$0x3FC8];
	(tm) =	ssettm $0x1  }
0x92: {  	s4 =	sld [smem:$0x3FFB];
	_ =	sdelay $0x3  }
0x93: {  	_ =	strace s4  }
0x94: {  	s4 =	sld [smem:$0x3FFC];
	_ =	sdelay $0x3  }
0x95: {  	_ =	strace s4  }
0x96: {  	s4 =	sld [smem:$0x3FFD];
	_ =	sdelay $0x3  }
0x97: {  	_ =	strace s4  }
0x98: {  	_ =	strace $0x8FFFFFFF  }
0x99: {  	s19 =	sld [smem:$0x3FDB];
	_ =	sdelay $0x1  }
0x9a: {  	s5 =	simm.s32 $_scs_section_size  }
0x9b: {  	s6 =	simm.s32 $_size__tile_overlayer_lowered;
	s7 =	simm.s32 $_tile_overlayer_lowered  }
0x9c: {  	s22 =	simm.s32 $0x1BFF;
	s21 =	sshll.u32 s7, $0x1;
	s4 =	sadd.s32 s5, s19  }
0x9d: {  	s8 =	simm.s32 $0x0;
	s20 =	sshll.u32 s6, $0x1;
	s6 =	sadd.s32 s21, s4  }
0x9e: {  	[timem:s8], [sflag:s22] =	dma.local [hbm:s6], s20  }
0x9f: {  	_ =	swait.ge [sflag:s22], s20  }
0xa0: {  	s5 =	ssub.s32 $0x0, s20;
	[sflag:s22] =	ssyncset.done $0x0  }
0xa1: {  	[sflag:s22] =	ssyncadd.s32 s5;
	_ =	sdelay $0x1  }
0xa2: {  	s23 =	simm.s32 $0x1B8B  }
0xa3: {  	_ =	swait.ge [sflag:s23], $0x1  }
0xa4: {  	[sflag:s23] =	ssyncset.done $0x0  }
0xa5: {  	s25 =	simm.s32 $0x1B8E;
	s24 =	sld [smem:$0x3FFE];
	[sflag:s23] =	ssyncadd.s32 $0xFFFFFFFF  }
0xa6: {  	s26 =	simm.s32 $execute0_lowered;
	[smem:$0x3FD2] =	sst s25  }
0xa7: {  	s6 =	sshll.u32 s26, $0x1;
	_ =	strace $0x80000046;
	[dreg:$0x1] =	wrdreg $0xFFFFFFFF  }
0xa8: {  	s28 =	simm.s32 $_size_execute0_lowered;
	s4 =	sadd.s32 s4, s6;
	[dreg:$0x0] =	wrdreg $0x0  }
0xa9: {  	s6 =	sshll.u32 s28, $0x1;
	[dreg:$0x2] =	wrdreg s4  }
0xaa: {  	[dreg:$0x3] =	wrdreg s6  }
0xab: {  	[dreg:$0x4] =	wrdreg $0xC0  }
0xac: {  	_ =	task [dreg:s8], $0x5FFFF  }
0xad: {  	[dreg:$0x1] =	wrdreg $0xFFFFFFFF  }
0xae: {  	[dreg:$0x0] =	wrdreg $0x60  }
0xaf: {  	[dreg:$0x2] =	wrdreg s2  }
0xb0: {  	[dreg:$0x3] =	wrdreg s18  }
0xb1: {  	[dreg:$0x4] =	wrdreg s24  }
0xb2: {  	[dreg:$0x5] =	wrdreg $0x9  }
0xb3: {  	_ =	task.clear_ibuf [dreg:s8], $0x6FFFF;
	_ =	strace $0x90000046  }
0xb4: {  	s29 =	simm.s32 $0x9;
	_ =	strace $0x80000048  }
0xb5: {  	_ =	swait.ge [sflag:s29], $0x1  }
0xb6: {  	[sflag:s29] =	ssyncadd.s32 $0xFFFFFFFF  }
0xb7: {  	_ =	strace $0x90000048  }
0xb8: {  	_ =	sfence  }
0xb9: {  	s30 =	sld [smem:$0x0];
	_ =	sdelay $0x2  }
0xba: {  	s31 =	sshll.u32 s1, $0xD;
	s1 =	sshrl.u32 s1, $0x2  }
0xbb: {  	s3 =	sand.u32 $0x4000, s31;
	s1 =	sadd.s32 s1, s30  }
0xbc: {  	s0 =	sor.u32 s3, s0;
	s1 =	sshll.u32 s1, $0x11  }
0xbd: {  	s0 =	sor.u32 s1, s0  }
0xbe: {  	s0 =	sadd.s32 $0x8F2B, s0  }
0xbf: {  	[sflag:s0] =	ssyncadd.remote.s32 $0x1  }
0xc0: {  	_ =	sfence.sel $0xFFFF  }
0xc1: {  	[dreg:$0x0] =	wrdreg $0xFFFFFFFF;
	(pc) =	sbr.abs _section_cstart, $3  }
0xc2: {  	[dreg:$0x1] =	wrdreg $0xFFFFFFFF  }
0xc3: {  	_ =	task.clear_ibuf [dreg:s8], $0x2FFFF;
	_ =	strace $0x9FFFFFFF  }
0xc4: {  	(tm) =	ssettm $0x7FFFFFFF  }
0xc5: {  	_ =	shalt  }
tec
execute0_lowered:
.L_overlay_start_1:
0x0: {  	(tag) =	ssettag $0x1  }
0x1: {  	s0 =	rddreg [dreg:$0x0];
	s1 =	srdreg.scid  }
0x2: {  	s2 =	stileid.u32;
	s6 =	rddreg [dreg:$0x1]  }
0x3: {  	s5 =	rddreg [dreg:$0x2];
	s10 =	simm.s32 $0x3;
	s12 =	simm.s32 $0x400  }
0x4: {  	s13 =	simm.s32 $0x20;
	s16 =	simm.s32 $0x80;
	s28 =	simm.s32 $0x4400  }
0x5: {  	s29 =	simm.s32 $0xEC00;
	s30 =	simm.s32 $0x10C00;
	s31 =	simm.s32 $0x12C00  }
0x6: {  	s14 =	simm.s32 $0x1;
	s15 =	simm.s32 $0x2;
	s18 =	simm.s32 $0x0  }
0x7: {  	s1 =	sand.u32 $0x1, s1;
	s2 =	sshll.u32 s2, $0x1;
	s4 =	sadd.s32 $0xF42A00, s5  }
0x8: {  	s7 =	sor.u32 s1, s2;
	s2 =	simm.s32 $0x0;
	s1 =	ssub.s32 $0x2, s1  }
0x9: {  	s3 =	smul.u32 $0x500, s7;
	[smem:$0x7FF] =	sst s2;
	s9 =	sshll.u32 s7, $0xB  }
0xa: {  	s26 =	sshrl.u32 s1, $0x1;
	s7 =	sshll.u32 s7, $0x6;
	_ =	strace $0x80000047  }
0xb: {  	s9 =	sadd.s32 s9, s5;
	s1 =	ssub.s32 s1, s26;
	s6 =	sadd.s32 s6, s7  }
0xc: {  	s26 =	simm.s32 $0x3400;
	s8 =	sadd.s32 s3, s5;
	s3 =	sadd.s32 $0x16E3C00, s5  }
0xd: {  	s5 =	sadd.s32 s0, s7;
	s0 =	simm.s32 $0x16C00;
	s7 =	sadd.s32 $0x600, s8  }
0xe: {  	s8 =	sadd.s32 $0xA600, s9;
	s9 =	smax.u32 s1, $0x1;
	s1 =	simm.s32 $0x14C00  }
.LBB2_1:
0xf: {  	[tilespmem:s2], [sflag:$0x3] =	stream.linear.gather [hbm4b:s5+s2], $0x200, $0x38;
	[tilespmem:$0x1CC00] =	vst v63  }
0x10: {  	_ =	swait.ge [sflag:s10], $0x200  }
0x11: {  	[sflag:s10] =	ssyncset.done $0x0  }
0x12: {  	s11 =	simm.s32 $0x200;
	[sflag:s10] =	ssyncadd.s32 $0xFFFFFE00  }
0x13: {  	[tilespmem:s11], [sflag:$0x3] =	stream.linear.gather [hbm4b:s6+s2], $0x200, $0x38;
	[tilespmem:$0x1CC00] =	vst v63  }
0x14: {  	_ =	swait.ge [sflag:s10], $0x200  }
0x15: {  	[sflag:s10] =	ssyncset.done $0x0  }
0x16: {  	[sflag:s10] =	ssyncadd.s32 $0xFFFFFE00  }
0x17: {  	[tilespmem:s12], [sflag:$0x3] =	stream.linear.gather [hbm4b:s7+s2], $0x2800, $0x38;
	[tilespmem:$0x1CC00] =	vst v63  }
0x18: {  	_ =	swait.ge [sflag:s10], $0x2800  }
0x19: {  	[sflag:s10] =	ssyncset.done $0x0  }
0x1a: {  	s17 =	simm.s32 $0x2C00;
	[sflag:s10] =	ssyncadd.s32 $0xFFFFD800  }
0x1b: {  	[tilespmem:s17], [sflag:$0x1] =	stream.indirect.gather [hbm4b:s3+s13], $0x40, s2, s13, $0xb8;
	[tilespmem:$0x1CC00] =	vst v63  }
0x1c: {  	s24 =	simm.s32 $0x3C00  }
0x1d: {  	[tilespmem:s24], [sflag:$0x1] =	stream.indirect.gather [hbm4b:s4+s13], $0x40, s11, s13, $0xb8;
	[tilespmem:$0x1CC00] =	vst v63  }
0x1e: {  	s25 =	simm.s32 $0x4C00  }
0x1f: {  	[tilespmem:s25], [sflag:$0x1] =	stream.indirect.gather [hbm4b:s4+s16], $0x40, s12, s16, $0xb8;
	[tilespmem:$0x1CC00] =	vst v63  }
0x20: {  	s19 =	simm.s32 $0x6C00;
	s17 =	simm.s32 $0x480  }
0x21: {  	[tilespmem:s19], [sflag:$0x1] =	stream.indirect.gather [hbm4b:s4+s16], $0x40, s17, s16, $0xb8;
	[tilespmem:$0x1CC00] =	vst v63  }
0x22: {  	s20 =	simm.s32 $0x500;
	s21 =	simm.s32 $0x8C00;
	s22 =	simm.s32 $0x580  }
0x23: {  	[tilespmem:s21], [sflag:$0x1] =	stream.indirect.gather [hbm4b:s4+s16], $0x40, s20, s16, $0xb8;
	[tilespmem:$0x1CC00] =	vst v63  }
0x24: {  	s23 =	simm.s32 $0xAC00;
	s24 =	simm.s32 $0x600;
	s25 =	simm.s32 $0xCC00  }
0x25: {  	[tilespmem:s23], [sflag:$0x1] =	stream.indirect.gather [hbm4b:s4+s16], $0x40, s22, s16, $0xb8;
	[tilespmem:$0x1CC00] =	vst v63  }
0x26: {  	s17 =	simm.s32 $0x18C10;
	s20 =	simm.s32 $0x19010;
	s21 =	simm.s32 $0x0  }
0x27: {  	[tilespmem:s25], [sflag:$0x1] =	stream.indirect.gather [hbm4b:s4+s16], $0x40, s24, s16, $0xb8;
	[tilespmem:$0x1CC00] =	vst v63  }
.LBB2_2:
0x28: {  	s11 =	sshllo.u32 s21, $0x1  }
0x29: {  	s19 =	sshll.u32 s11, $0x5;
	s11 =	smul.u32 $0xA00, s11  }
0x2a: {  	[tilespmem:s26], [sflag:$0x2] =	stream.indirect.gather [hbm4b:s3+s13], $0x40, s19, s13, $0xb8;
	[tilespmem:$0x1CC00] =	vst v63  }
0x2b: {  	s19 =	sadd.s32 $0x200, s19;
	s11 =	sshra.s32 s11, $0x2  }
0x2c: {  	[tilespmem:s28], [sflag:$0x2] =	stream.indirect.gather [hbm4b:s4+s13], $0x40, s19, s13, $0xb8;
	[tilespmem:$0x1CC00] =	vst v63  }
0x2d: {  	s25 =	sadd.s32 $0x400, s11  }
0x2e: {  	[tilespmem:s29], [sflag:$0x2] =	stream.indirect.gather [hbm4b:s4+s16], $0x40, s25, s16, $0xb8;
	[tilespmem:$0x1CC00] =	vst v63  }
0x2f: {  	s22 =	sadd.s32 $0x480, s11  }
0x30: {  	[tilespmem:s30], [sflag:$0x2] =	stream.indirect.gather [hbm4b:s4+s16], $0x40, s22, s16, $0xb8;
	[tilespmem:$0x1CC00] =	vst v63  }
0x31: {  	s23 =	sadd.s32 $0x500, s11  }
0x32: {  	[tilespmem:s31], [sflag:$0x2] =	stream.indirect.gather [hbm4b:s4+s16], $0x40, s23, s16, $0xb8;
	[tilespmem:$0x1CC00] =	vst v63  }
0x33: {  	s24 =	sadd.s32 $0x580, s11  }
0x34: {  	[tilespmem:s1], [sflag:$0x2] =	stream.indirect.gather [hbm4b:s4+s16], $0x40, s24, s16, $0xb8;
	[tilespmem:$0x1CC00] =	vst v63  }
0x35: {  	s11 =	sadd.s32 $0x600, s11  }
0x36: {  	[tilespmem:s0], [sflag:$0x2] =	stream.indirect.gather [hbm4b:s4+s16], $0x40, s11, s16, $0xb8;
	[tilespmem:$0x1CC00] =	vst v63  }
0x37: {  	_ =	swait.ge [sflag:s14], $0x800  }
0x38: {  	[sflag:s14] =	ssyncset.done $0x0  }
0x39: {  	[sflag:s14] =	ssyncadd.s32 $0xFFFFF800  }
0x3a: {  	_ =	swait.ge [sflag:s14], $0x800  }
0x3b: {  	[sflag:s14] =	ssyncset.done $0x0  }
0x3c: {  	[sflag:s14] =	ssyncadd.s32 $0xFFFFF800  }
0x3d: {  	_ =	swait.ge [sflag:s14], $0xA000  }
0x3e: {  	[sflag:s14] =	ssyncset.done $0x0  }
0x3f: {  	s22 =	simm.s32 $0x4E80;
	[sflag:s14] =	ssyncadd.s32 $0xFFFF6000  }
0x40: {  	v7 =	vld [tilespmem:s22+$0xFFFFFD90]  }
0x41: {  	v8 =	vld [tilespmem:s22+$0xFFFFFDD0]  }
0x42: {  	v9 =	vld [tilespmem:s22+$0xFFFFFE10]  }
0x43: {  	v1 =	vld [tilespmem:s22+$0x260]  }
0x44: {  	v10 =	vld [tilespmem:s22+$0xFFFFFE50]  }
0x45: {  	v3 =	vld [tilespmem:s22+$0x240]  }
0x46: {  	v11 =	vld [tilespmem:s22+$0xFFFFFE90]  }
0x47: {  	v0 =	vld [tilespmem:s22+$0x270]  }
0x48: {  	v12 =	vld [tilespmem:s22+$0xFFFFFED0]  }
0x49: {  	v5 =	vld [tilespmem:s22+$0x170]  }
0x4a: {  	v13 =	vld [tilespmem:s22+$0xFFFFFF10]  }
0x4b: {  	v2 =	vld [tilespmem:s22+$0x230]  }
0x4c: {  	v14 =	vld [tilespmem:s22+$0xFFFFFF50]  }
0x4d: {  	v4 =	vld [tilespmem:s22+$0x1F0]  }
0x4e: {  	v15 =	vld [tilespmem:s22+$0xFFFFFF90]  }
0x4f: {  	v6 =	vld [tilespmem:s22+$0x1B0]  }
0x50: {  	v16 =	vld [tilespmem:s22+$0xFFFFFFD0]  }
0x51: {  	v17 =	vld [tilespmem:s22+$0x130]  }
0x52: {  	v18 =	vld [tilespmem:s22+$0x10]  }
0x53: {  	v19 =	vld [tilespmem:s22+$0xF0]  }
0x54: {  	v20 =	vld [tilespmem:s22+$0x50]  }
0x55: {  	v21 =	vld [tilespmem:s22+$0xB0]  }
0x56: {  	v22 =	vld [tilespmem:s22+$0x90]  }
0x57: {  	v23 =	vld [tilespmem:s22+$0x70]  }
0x58: {  	v24 =	vld [tilespmem:s22+$0xD0]  }
0x59: {  	v25 =	vld [tilespmem:s22+$0x30]  }
0x5a: {  	v26 =	vld [tilespmem:s22+$0x110]  }
0x5b: {  	v27 =	vld [tilespmem:s22+$0xFFFFFFF0]  }
0x5c: {  	v28 =	vld [tilespmem:s22+$0x150]  }
0x5d: {  	v29 =	vld [tilespmem:s22+$0xFFFFFFB0]  }
0x5e: {  	v30 =	vld [tilespmem:s22+$0x190]  }
0x5f: {  	v31 =	vld [tilespmem:s22+$0xFFFFFF70]  }
0x60: {  	v32 =	vld [tilespmem:s22+$0x1D0]  }
0x61: {  	v33 =	vld [tilespmem:s22+$0xFFFFFF30]  }
0x62: {  	v34 =	vld [tilespmem:s22+$0x210]  }
0x63: {  	v35 =	vld [tilespmem:s22+$0xFFFFFEF0]  }
0x64: {  	v36 =	vld [tilespmem:s22+$0x250]  }
0x65: {  	v37 =	vld [tilespmem:s22+$0xFFFFFEB0]  }
0x66: {  	v38 =	vld [tilespmem:s22+$0xFFFFFE30]  }
0x67: {  	v39 =	vld [tilespmem:s22+$0xFFFFFE70]  }
0x68: {  	v40 =	vld [tilespmem:s22+$0xFFFFFDF0]  }
0x69: {  	v41 =	vld [tilespmem:s22+$0xFFFFFDB0]  }
0x6a: {  	v42 =	vld [tilespmem:s22+$0xFFFFFDE0]  }
0x6b: {  	v43 =	vld [tilespmem:s22+$0xFFFFFDC0]  }
0x6c: {  	v44 =	vld [tilespmem:s22+$0xFFFFFD80]  }
0x6d: {  	v45 =	vld [tilespmem:s22+$0xFFFFFDA0]  }
0x6e: {  	v46 =	vld [tilespmem:s22+$0xFFFFFE00]  }
0x6f: {  	v47 =	vld [tilespmem:s22+$0xFFFFFE20]  }
0x70: {  	v62 =	vld [tilespmem:s22+$0xFFFFFE40];
	v7 =	vadd.f32 v8, v7  }
0x71: {  	v63 =	vld [tilespmem:s22+$0xFFFFFE60];
	v43 =	vadd.f32 v43, v44  }
0x72: {  	v48 =	vld [tilespmem:s22+$0xFFFFFE80];
	v42 =	vadd.f32 v42, v45;
	v7 =	vadd.f32 v9, v7  }
0x73: {  	v49 =	vld [tilespmem:s22+$0xFFFFFEA0];
	v43 =	vadd.f32 v46, v43  }
0x74: {  	v50 =	vld [tilespmem:s22+$0xFFFFFEC0];
	v42 =	vadd.f32 v47, v42;
	v7 =	vadd.f32 v10, v7  }
0x75: {  	v51 =	vld [tilespmem:s22+$0xFFFFFEE0];
	v52 =	vadd.f32 v40, v41;
	v8 =	vadd.f32 v62, v43  }
0x76: {  	v53 =	vld [tilespmem:s22+$0xFFFFFF00];
	v54 =	vadd.f32 v63, v42;
	v7 =	vadd.f32 v11, v7  }
0x77: {  	v55 =	vld [tilespmem:s22+$0xFFFFFF20];
	v8 =	vadd.f32 v48, v8;
	v11 =	vadd.f32 v38, v52  }
0x78: {  	v56 =	vld [tilespmem:s22+$0xFFFFFF40];
	v57 =	vadd.f32 v49, v54;
	v7 =	vadd.f32 v12, v7  }
0x79: {  	v58 =	vld [tilespmem:s22+$0xFFFFFF60];
	v8 =	vadd.f32 v50, v8;
	v11 =	vadd.f32 v39, v11  }
0x7a: {  	v59 =	vld [tilespmem:s22+$0xFFFFFF80];
	v38 =	vadd.f32 v51, v57;
	v7 =	vadd.f32 v13, v7  }
0x7b: {  	v60 =	vld [tilespmem:s22+$0xFFFFFFA0];
	v8 =	vadd.f32 v53, v8;
	v11 =	vadd.f32 v37, v11  }
0x7c: {  	v61 =	vld [tilespmem:s22+$0xFFFFFFC0];
	v9 =	vadd.f32 v55, v38;
	v7 =	vadd.f32 v14, v7  }
0x7d: {  	v62 =	vld [tilespmem:s22+$0xFFFFFFE0];
	v8 =	vadd.f32 v56, v8;
	v11 =	vadd.f32 v35, v11  }
0x7e: {  	v63 =	vld [tilespmem:s22+$0x0];
	v9 =	vadd.f32 v58, v9;
	v7 =	vadd.f32 v15, v7  }
0x7f: {  	v35 =	vld [tilespmem:s22+$0x20];
	v8 =	vadd.f32 v59, v8;
	v11 =	vadd.f32 v33, v11  }
0x80: {  	v37 =	vld [tilespmem:s22+$0x40];
	v9 =	vadd.f32 v60, v9;
	v7 =	vadd.f32 v16, v7  }
0x81: {  	v38 =	vld [tilespmem:s22+$0x60];
	v8 =	vadd.f32 v61, v8;
	v11 =	vadd.f32 v31, v11  }
0x82: {  	v39 =	vld [tilespmem:s22+$0x80];
	v9 =	vadd.f32 v62, v9;
	v7 =	vadd.f32 v18, v7  }
0x83: {  	v40 =	vld [tilespmem:s22+$0xA0];
	v8 =	vadd.f32 v63, v8;
	v11 =	vadd.f32 v29, v11  }
0x84: {  	v41 =	vld [tilespmem:s22+$0xC0];
	v9 =	vadd.f32 v35, v9;
	v7 =	vadd.f32 v20, v7  }
0x85: {  	v42 =	vld [tilespmem:s22+$0xE0];
	v8 =	vadd.f32 v37, v8;
	v11 =	vadd.f32 v27, v11  }
0x86: {  	v43 =	vld [tilespmem:s22+$0x100];
	v9 =	vadd.f32 v38, v9;
	v7 =	vadd.f32 v22, v7  }
0x87: {  	v44 =	vld [tilespmem:s22+$0x120];
	v8 =	vadd.f32 v39, v8;
	v11 =	vadd.f32 v25, v11  }
0x88: {  	v45 =	vld [tilespmem:s22+$0x140];
	v9 =	vadd.f32 v40, v9;
	v7 =	vadd.f32 v24, v7  }
0x89: {  	v46 =	vld [tilespmem:s22+$0x160];
	v8 =	vadd.f32 v41, v8;
	v11 =	vadd.f32 v23, v11  }
0x8a: {  	v47 =	vld [tilespmem:s22+$0x180];
	v9 =	vadd.f32 v42, v9;
	v7 =	vadd.f32 v26, v7  }
0x8b: {  	v48 =	vld [tilespmem:s22+$0x1A0];
	v8 =	vadd.f32 v43, v8;
	v11 =	vadd.f32 v21, v11  }
0x8c: {  	v49 =	vld [tilespmem:s22+$0x1C0];
	v9 =	vadd.f32 v44, v9;
	v7 =	vadd.f32 v28, v7  }
0x8d: {  	v50 =	vld [tilespmem:s22+$0x1E0];
	v8 =	vadd.f32 v45, v8;
	v11 =	vadd.f32 v19, v11  }
0x8e: {  	v51 =	vld [tilespmem:s22+$0x200];
	v9 =	vadd.f32 v46, v9;
	v7 =	vadd.f32 v30, v7  }
0x8f: {  	s25 =	simm.s32 $0x0;
	v53 =	vld [tilespmem:s22+$0x220];
	v8 =	vadd.f32 v47, v8;
	v11 =	vadd.f32 v17, v11  }
0x90: {  	v52 =	vld [tilespmem:s25+$0x2C10];
	v9 =	vadd.f32 v48, v9;
	v7 =	vadd.f32 v32, v7  }
0x91: {  	v54 =	vld [tilespmem:s25+$0x3C10];
	v8 =	vadd.f32 v49, v8;
	v5 =	vadd.f32 v5, v11  }
0x92: {  	v55 =	vld [tilespmem:s25+$0x2C00];
	v9 =	vadd.f32 v50, v9;
	v7 =	vadd.f32 v34, v7  }
0x93: {  	v56 =	vld [tilespmem:s25+$0x3C00];
	v8 =	vadd.f32 v51, v8;
	v5 =	vadd.f32 v6, v5  }
0x94: {  	v57 =	vld [tilespmem:s25+$0x2C20];
	v9 =	vadd.f32 v53, v9;
	v7 =	vadd.f32 v36, v7  }
0x95: {  	v58 =	vld [tilespmem:s25+$0x3C20];
	v3 =	vadd.f32 v3, v8;
	v4 =	vadd.f32 v4, v5  }
0x96: {  	v59 =	vld [tilespmem:s25+$0x2C30];
	v1 =	vadd.f32 v1, v9  }
0x97: {  	v60 =	vld [tilespmem:s25+$0x3C30];
	v7 =	vmul.f32 v7, v52;
	v3 =	vmul.f32 v3, v55;
	v2 =	vadd.f32 v2, v4  }
0x98: {  	v61 =	vmul.f32 v54, v52;
	v62 =	vmul.f32 v56, v55  }
0x99: {  	v1 =	vmul.f32 v1, v57;
	v3 =	vadd.f32 v7, v3;
	v0 =	vadd.f32 v0, v2  }
0x9a: {  	v63 =	vmul.f32 v58, v57;
	v2 =	vadd.f32 v61, v62  }
0x9b: {  	v1 =	vadd.f32 v1, v3;
	v0 =	vmul.f32 v0, v59  }
0x9c: {  	v2 =	vadd.f32 v63, v2;
	v3 =	vmul.f32 v60, v59  }
0x9d: {  	s19 =	smov.u32 s17;
	v1 =	vadd.f32 v0, v1  }
0x9e: {  	s23 =	sshll.u32 s21, $0x1;
	s24 =	smov.u32 s17;
	s25 =	simm.s32 $0x100;
	v0 =	vadd.f32 v3, v2  }
.LBB2_3:
0x9f: {  	p0 =	sne.s32 s25, $0x1F00;
	[tilespmem:s19+$0x0] =	vst v1;
	s24 =	sadd.s32 $0x20, s24;
	s22 =	sadd.s32 $0x500, s22  }
0xa0: {  	s11 =	smov.u32 s25;
	s25 =	sadd.s32 $0x100, s25;
	[tilespmem:s19+$0xFFFFFFF0] =	vst v0;
	s19 =	smov.u32 s24  }
0xa1: {  	v2 =	vld [tilespmem:s22+$0xFFFFFD90]  }
0xa2: {  	v3 =	vld [tilespmem:s22+$0xFFFFFDD0]  }
0xa3: {  	v4 =	vld [tilespmem:s22+$0xFFFFFE10]  }
0xa4: {  	v0 =	vld [tilespmem:s22+$0x260]  }
0xa5: {  	v6 =	vld [tilespmem:s22+$0xFFFFFE50]  }
0xa6: {  	v1 =	vld [tilespmem:s22+$0x240]  }
0xa7: {  	v3 =	vadd.f32 v3, v2;
	v7 =	vld [tilespmem:s22+$0xFFFFFE90]  }
0xa8: {  	v2 =	vld [tilespmem:s22+$0x270]  }
0xa9: {  	v3 =	vadd.f32 v4, v3;
	v8 =	vld [tilespmem:s22+$0xFFFFFED0]  }
0xaa: {  	v5 =	vld [tilespmem:s22+$0x170]  }
0xab: {  	v4 =	vadd.f32 v6, v3;
	v9 =	vld [tilespmem:s22+$0xFFFFFF10]  }
0xac: {  	v3 =	vld [tilespmem:s22+$0x230]  }
0xad: {  	v6 =	vadd.f32 v7, v4;
	v10 =	vld [tilespmem:s22+$0xFFFFFF50]  }
0xae: {  	v4 =	vld [tilespmem:s22+$0x1F0]  }
0xaf: {  	v7 =	vadd.f32 v8, v6;
	v8 =	vld [tilespmem:s22+$0xFFFFFF90]  }
0xb0: {  	v6 =	vld [tilespmem:s22+$0x1B0]  }
0xb1: {  	v9 =	vadd.f32 v9, v7;
	v12 =	vld [tilespmem:s22+$0xFFFFFFD0]  }
0xb2: {  	v7 =	vld [tilespmem:s22+$0x130]  }
0xb3: {  	v10 =	vadd.f32 v10, v9;
	v13 =	vld [tilespmem:s22+$0x10]  }
0xb4: {  	v9 =	vld [tilespmem:s22+$0xF0]  }
0xb5: {  	v8 =	vadd.f32 v8, v10;
	v10 =	vld [tilespmem:s22+$0x50]  }
0xb6: {  	v11 =	vld [tilespmem:s22+$0xB0]  }
0xb7: {  	v8 =	vadd.f32 v12, v8;
	v14 =	vld [tilespmem:s22+$0x90]  }
0xb8: {  	v12 =	vld [tilespmem:s22+$0x70]  }
0xb9: {  	v8 =	vadd.f32 v13, v8;
	v13 =	vld [tilespmem:s22+$0xD0]  }
0xba: {  	v15 =	vld [tilespmem:s22+$0x30]  }
0xbb: {  	v8 =	vadd.f32 v10, v8;
	v10 =	vld [tilespmem:s22+$0x110]  }
0xbc: {  	v16 =	vld [tilespmem:s22+$0xFFFFFFF0]  }
0xbd: {  	v8 =	vadd.f32 v14, v8;
	v14 =	vld [tilespmem:s22+$0x150]  }
0xbe: {  	v17 =	vld [tilespmem:s22+$0xFFFFFFB0]  }
0xbf: {  	v8 =	vadd.f32 v13, v8;
	v13 =	vld [tilespmem:s22+$0x190]  }
0xc0: {  	v18 =	vld [tilespmem:s22+$0xFFFFFF70]  }
0xc1: {  	v8 =	vadd.f32 v10, v8;
	v10 =	vld [tilespmem:s22+$0x1D0]  }
0xc2: {  	v19 =	vld [tilespmem:s22+$0xFFFFFF30]  }
0xc3: {  	v8 =	vadd.f32 v14, v8;
	v14 =	vld [tilespmem:s22+$0x210]  }
0xc4: {  	v20 =	vld [tilespmem:s22+$0xFFFFFEF0]  }
0xc5: {  	v13 =	vadd.f32 v13, v8;
	v21 =	vld [tilespmem:s22+$0x250]  }
0xc6: {  	s11 =	sshra.s32 s11, $0x2;
	v22 =	vld [tilespmem:s22+$0xFFFFFEB0]  }
0xc7: {  	v8 =	vld [tilespmem:s11+$0x2C10];
	v10 =	vadd.f32 v10, v13  }
0xc8: {  	v13 =	vld [tilespmem:s22+$0xFFFFFE30]  }
0xc9: {  	v10 =	vadd.f32 v14, v10;
	v14 =	vld [tilespmem:s22+$0xFFFFFE70]  }
0xca: {  	v23 =	vld [tilespmem:s22+$0xFFFFFDF0]  }
0xcb: {  	v10 =	vadd.f32 v21, v10;
	v21 =	vld [tilespmem:s22+$0xFFFFFDB0]  }
0xcc: {  	v24 =	vld [tilespmem:s22+$0xFFFFFDE0]  }
0xcd: {  	v25 =	vld [tilespmem:s22+$0xFFFFFDC0];
	v10 =	vmul.f32 v10, v8  }
0xce: {  	v26 =	vld [tilespmem:s22+$0xFFFFFD80]  }
0xcf: {  	v27 =	vld [tilespmem:s22+$0xFFFFFDA0]  }
0xd0: {  	v28 =	vld [tilespmem:s22+$0xFFFFFE00];
	v21 =	vadd.f32 v23, v21  }
0xd1: {  	v23 =	vld [tilespmem:s22+$0xFFFFFE20]  }
0xd2: {  	v29 =	vld [tilespmem:s22+$0xFFFFFE40];
	v13 =	vadd.f32 v13, v21  }
0xd3: {  	v21 =	vadd.f32 v25, v26;
	v25 =	vld [tilespmem:s22+$0xFFFFFE60]  }
0xd4: {  	v26 =	vld [tilespmem:s22+$0xFFFFFE80];
	v24 =	vadd.f32 v24, v27;
	v13 =	vadd.f32 v14, v13  }
0xd5: {  	v14 =	vadd.f32 v28, v21;
	v21 =	vld [tilespmem:s22+$0xFFFFFEA0]  }
0xd6: {  	v27 =	vld [tilespmem:s22+$0xFFFFFEC0];
	v23 =	vadd.f32 v23, v24;
	v13 =	vadd.f32 v22, v13  }
0xd7: {  	v14 =	vadd.f32 v29, v14;
	v22 =	vld [tilespmem:s22+$0xFFFFFEE0]  }
0xd8: {  	v24 =	vld [tilespmem:s22+$0xFFFFFF00];
	v23 =	vadd.f32 v25, v23;
	v13 =	vadd.f32 v20, v13  }
0xd9: {  	v14 =	vadd.f32 v26, v14;
	v20 =	vld [tilespmem:s22+$0xFFFFFF20]  }
0xda: {  	v25 =	vld [tilespmem:s22+$0xFFFFFF40];
	v21 =	vadd.f32 v21, v23;
	v13 =	vadd.f32 v19, v13  }
0xdb: {  	v14 =	vadd.f32 v27, v14;
	v19 =	vld [tilespmem:s22+$0xFFFFFF60]  }
0xdc: {  	v23 =	vld [tilespmem:s22+$0xFFFFFF80];
	v21 =	vadd.f32 v22, v21;
	v13 =	vadd.f32 v18, v13  }
0xdd: {  	v14 =	vadd.f32 v24, v14;
	v18 =	vld [tilespmem:s22+$0xFFFFFFA0]  }
0xde: {  	v22 =	vld [tilespmem:s22+$0xFFFFFFC0];
	v20 =	vadd.f32 v20, v21;
	v13 =	vadd.f32 v17, v13  }
0xdf: {  	v14 =	vadd.f32 v25, v14;
	v17 =	vld [tilespmem:s22+$0xFFFFFFE0]  }
0xe0: {  	v21 =	vld [tilespmem:s22+$0x0];
	v19 =	vadd.f32 v19, v20;
	v13 =	vadd.f32 v16, v13  }
0xe1: {  	v14 =	vadd.f32 v23, v14;
	v16 =	vld [tilespmem:s22+$0x20]  }
0xe2: {  	v20 =	vld [tilespmem:s22+$0x40];
	v18 =	vadd.f32 v18, v19;
	v13 =	vadd.f32 v15, v13  }
0xe3: {  	v14 =	vadd.f32 v22, v14;
	v15 =	vld [tilespmem:s22+$0x60]  }
0xe4: {  	v19 =	vld [tilespmem:s22+$0x80];
	v17 =	vadd.f32 v17, v18;
	v12 =	vadd.f32 v12, v13  }
0xe5: {  	v13 =	vadd.f32 v21, v14;
	v14 =	vld [tilespmem:s22+$0xA0]  }
0xe6: {  	v18 =	vld [tilespmem:s22+$0xC0];
	v16 =	vadd.f32 v16, v17;
	v11 =	vadd.f32 v11, v12  }
0xe7: {  	v12 =	vadd.f32 v20, v13;
	v13 =	vld [tilespmem:s22+$0xE0]  }
0xe8: {  	v17 =	vld [tilespmem:s22+$0x100];
	v15 =	vadd.f32 v15, v16;
	v9 =	vadd.f32 v9, v11  }
0xe9: {  	v11 =	vadd.f32 v19, v12;
	v12 =	vld [tilespmem:s22+$0x120]  }
0xea: {  	v16 =	vld [tilespmem:s22+$0x140];
	v14 =	vadd.f32 v14, v15;
	v7 =	vadd.f32 v7, v9  }
0xeb: {  	v9 =	vadd.f32 v18, v11;
	v11 =	vld [tilespmem:s22+$0x160]  }
0xec: {  	v15 =	vld [tilespmem:s22+$0x180];
	v13 =	vadd.f32 v13, v14;
	v5 =	vadd.f32 v5, v7  }
0xed: {  	v7 =	vadd.f32 v17, v9;
	v9 =	vld [tilespmem:s22+$0x1A0]  }
0xee: {  	v14 =	vld [tilespmem:s22+$0x1C0];
	v12 =	vadd.f32 v12, v13;
	v5 =	vadd.f32 v6, v5  }
0xef: {  	v6 =	vadd.f32 v16, v7;
	v7 =	vld [tilespmem:s22+$0x1E0]  }
0xf0: {  	v13 =	vld [tilespmem:s22+$0x200];
	v11 =	vadd.f32 v11, v12;
	v4 =	vadd.f32 v4, v5  }
0xf1: {  	v5 =	vadd.f32 v15, v6;
	v6 =	vld [tilespmem:s22+$0x220]  }
0xf2: {  	v12 =	vld [tilespmem:s11+$0x3C10];
	v9 =	vadd.f32 v9, v11;
	v3 =	vadd.f32 v3, v4  }
0xf3: {  	v4 =	vld [tilespmem:s11+$0x2C00];
	v5 =	vadd.f32 v14, v5  }
0xf4: {  	v11 =	vld [tilespmem:s11+$0x3C00];
	v7 =	vadd.f32 v7, v9;
	v2 =	vadd.f32 v2, v3  }
0xf5: {  	v3 =	vld [tilespmem:s11+$0x3C20];
	v5 =	vadd.f32 v13, v5  }
0xf6: {  	v9 =	vld [tilespmem:s11+$0x2C20];
	v6 =	vadd.f32 v6, v7  }
0xf7: {  	v7 =	vmul.f32 v12, v8;
	v1 =	vadd.f32 v1, v5  }
0xf8: {  	v5 =	vld [tilespmem:s11+$0x2C30];
	v0 =	vadd.f32 v0, v6  }
0xf9: {  	v6 =	vmul.f32 v11, v4;
	v8 =	vld [tilespmem:s11+$0x3C30];
	v1 =	vmul.f32 v1, v4;
	_ =	sdelay $0x1  }
0xfa: {  	v4 =	vadd.f32 v7, v6;
	v1 =	vadd.f32 v10, v1;
	v0 =	vmul.f32 v0, v9  }
.Ltmp0:
0xfb: {  	v3 =	vmul.f32 v3, v9;
	(pc) =	sbr.rel @p0 .LBB2_3-.Ltmp0, $4  }
0xfc: {  	v0 =	vadd.f32 v0, v1;
	v1 =	vmul.f32 v2, v5  }
0xfd: {  	v2 =	vadd.f32 v3, v4;
	v3 =	vmul.f32 v8, v5  }
0xfe: {  	v1 =	vadd.f32 v1, v0  }
0xff: {  	v0 =	vadd.f32 v3, v2  }
0x100: {  	p0 =	seq.s32 s21, $0x7  }
0x101: {  	[tilespmem:s19+$0x0] =	vst v1;
	s11 =	sadd.s32 @!p0 $0x2, s23;
	s22 =	simm.s32 @!p0 $0x20  }
0x102: {  	[tilespmem:s19+$0xFFFFFFF0] =	vst v0;
	s23 =	simm.s32 @!p0 $0x2C00;
	s19 =	sshll.u32 @!p0 s11, $0x5;
	s11 =	smul.u32 @!p0 $0xA00, s11  }
0x103: {  	[tilespmem:s23], [sflag:$0x1] =	stream.indirect.gather @!p0 [hbm4b:s3+s22], $0x40, s19, s22, $0xb8;
	[tilespmem:$0x1CC00] =	vst v63  }
0x104: {  	s19 =	sadd.s32 @!p0 $0x200, s19;
	s23 =	simm.s32 @!p0 $0x3C00;
	s11 =	sshra.s32 @!p0 s11, $0x2  }
0x105: {  	[tilespmem:s23], [sflag:$0x1] =	stream.indirect.gather @!p0 [hbm4b:s4+s22], $0x40, s19, s22, $0xb8;
	[tilespmem:$0x1CC00] =	vst v63  }
0x106: {  	s19 =	sadd.s32 @!p0 $0x400, s11;
	s22 =	simm.s32 @!p0 $0x80;
	s23 =	simm.s32 @!p0 $0x4C00  }
0x107: {  	[tilespmem:s23], [sflag:$0x1] =	stream.indirect.gather @!p0 [hbm4b:s4+s22], $0x40, s19, s22, $0xb8;
	[tilespmem:$0x1CC00] =	vst v63  }
0x108: {  	s19 =	sadd.s32 @!p0 $0x480, s11;
	s23 =	simm.s32 @!p0 $0x6C00  }
0x109: {  	[tilespmem:s23], [sflag:$0x1] =	stream.indirect.gather @!p0 [hbm4b:s4+s22], $0x40, s19, s22, $0xb8;
	[tilespmem:$0x1CC00] =	vst v63  }
0x10a: {  	s19 =	sadd.s32 @!p0 $0x500, s11;
	s23 =	simm.s32 @!p0 $0x8C00  }
0x10b: {  	[tilespmem:s23], [sflag:$0x1] =	stream.indirect.gather @!p0 [hbm4b:s4+s22], $0x40, s19, s22, $0xb8;
	[tilespmem:$0x1CC00] =	vst v63  }
0x10c: {  	s19 =	sadd.s32 @!p0 $0x580, s11;
	s23 =	simm.s32 @!p0 $0xAC00  }
0x10d: {  	[tilespmem:s23], [sflag:$0x1] =	stream.indirect.gather @!p0 [hbm4b:s4+s22], $0x40, s19, s22, $0xb8;
	[tilespmem:$0x1CC00] =	vst v63  }
0x10e: {  	s11 =	sadd.s32 @!p0 $0x600, s11;
	s19 =	simm.s32 @!p0 $0xCC00  }
0x10f: {  	[tilespmem:s19], [sflag:$0x1] =	stream.indirect.gather @!p0 [hbm4b:s4+s22], $0x40, s11, s22, $0xb8;
	[tilespmem:$0x1CC00] =	vst v63  }
0x110: {  	_ =	swait.ge [sflag:s15], $0x800  }
0x111: {  	[sflag:s15] =	ssyncset.done $0x0  }
0x112: {  	[sflag:s15] =	ssyncadd.s32 $0xFFFFF800  }
0x113: {  	_ =	swait.ge [sflag:s15], $0x800  }
0x114: {  	[sflag:s15] =	ssyncset.done $0x0  }
0x115: {  	[sflag:s15] =	ssyncadd.s32 $0xFFFFF800  }
0x116: {  	_ =	swait.ge [sflag:s15], $0xA000  }
0x117: {  	[sflag:s15] =	ssyncset.done $0x0  }
0x118: {  	s22 =	simm.s32 $0xEE80;
	[sflag:s15] =	ssyncadd.s32 $0xFFFF6000  }
0x119: {  	v7 =	vld [tilespmem:s22+$0xFFFFFD90]  }
0x11a: {  	v8 =	vld [tilespmem:s22+$0xFFFFFDD0]  }
0x11b: {  	v9 =	vld [tilespmem:s22+$0xFFFFFE10]  }
0x11c: {  	v1 =	vld [tilespmem:s22+$0x260]  }
0x11d: {  	v10 =	vld [tilespmem:s22+$0xFFFFFE50]  }
0x11e: {  	v3 =	vld [tilespmem:s22+$0x240]  }
0x11f: {  	v11 =	vld [tilespmem:s22+$0xFFFFFE90]  }
0x120: {  	v0 =	vld [tilespmem:s22+$0x270]  }
0x121: {  	v12 =	vld [tilespmem:s22+$0xFFFFFED0]  }
0x122: {  	v5 =	vld [tilespmem:s22+$0x170]  }
0x123: {  	v13 =	vld [tilespmem:s22+$0xFFFFFF10]  }
0x124: {  	v2 =	vld [tilespmem:s22+$0x230]  }
0x125: {  	v14 =	vld [tilespmem:s22+$0xFFFFFF50]  }
0x126: {  	v4 =	vld [tilespmem:s22+$0x1F0]  }
0x127: {  	v15 =	vld [tilespmem:s22+$0xFFFFFF90]  }
0x128: {  	v6 =	vld [tilespmem:s22+$0x1B0]  }
0x129: {  	v16 =	vld [tilespmem:s22+$0xFFFFFFD0]  }
0x12a: {  	v17 =	vld [tilespmem:s22+$0x130]  }
0x12b: {  	v18 =	vld [tilespmem:s22+$0x10]  }
0x12c: {  	v19 =	vld [tilespmem:s22+$0xF0]  }
0x12d: {  	v20 =	vld [tilespmem:s22+$0x50]  }
0x12e: {  	v21 =	vld [tilespmem:s22+$0xB0]  }
0x12f: {  	v22 =	vld [tilespmem:s22+$0x90]  }
0x130: {  	v23 =	vld [tilespmem:s22+$0x70]  }
0x131: {  	v24 =	vld [tilespmem:s22+$0xD0]  }
0x132: {  	v25 =	vld [tilespmem:s22+$0x30]  }
0x133: {  	v26 =	vld [tilespmem:s22+$0x110]  }
0x134: {  	v27 =	vld [tilespmem:s22+$0xFFFFFFF0]  }
0x135: {  	v28 =	vld [tilespmem:s22+$0x150]  }
0x136: {  	v29 =	vld [tilespmem:s22+$0xFFFFFFB0]  }
0x137: {  	v30 =	vld [tilespmem:s22+$0x190]  }
0x138: {  	v31 =	vld [tilespmem:s22+$0xFFFFFF70]  }
0x139: {  	v32 =	vld [tilespmem:s22+$0x1D0]  }
0x13a: {  	v33 =	vld [tilespmem:s22+$0xFFFFFF30]  }
0x13b: {  	v34 =	vld [tilespmem:s22+$0x210]  }
0x13c: {  	v35 =	vld [tilespmem:s22+$0xFFFFFEF0]  }
0x13d: {  	v36 =	vld [tilespmem:s22+$0x250]  }
0x13e: {  	v37 =	vld [tilespmem:s22+$0xFFFFFEB0]  }
0x13f: {  	v38 =	vld [tilespmem:s22+$0xFFFFFE30]  }
0x140: {  	v39 =	vld [tilespmem:s22+$0xFFFFFE70]  }
0x141: {  	v40 =	vld [tilespmem:s22+$0xFFFFFDF0]  }
0x142: {  	v41 =	vld [tilespmem:s22+$0xFFFFFDB0]  }
0x143: {  	v42 =	vld [tilespmem:s22+$0xFFFFFDE0]  }
0x144: {  	v43 =	vld [tilespmem:s22+$0xFFFFFDC0]  }
0x145: {  	v44 =	vld [tilespmem:s22+$0xFFFFFD80]  }
0x146: {  	v45 =	vld [tilespmem:s22+$0xFFFFFDA0]  }
0x147: {  	v46 =	vld [tilespmem:s22+$0xFFFFFE00]  }
0x148: {  	v47 =	vld [tilespmem:s22+$0xFFFFFE20]  }
0x149: {  	v62 =	vld [tilespmem:s22+$0xFFFFFE40];
	v7 =	vadd.f32 v8, v7  }
0x14a: {  	v63 =	vld [tilespmem:s22+$0xFFFFFE60];
	v43 =	vadd.f32 v43, v44  }
0x14b: {  	v48 =	vld [tilespmem:s22+$0xFFFFFE80];
	v42 =	vadd.f32 v42, v45;
	v7 =	vadd.f32 v9, v7  }
0x14c: {  	v49 =	vld [tilespmem:s22+$0xFFFFFEA0];
	v43 =	vadd.f32 v46, v43  }
0x14d: {  	v50 =	vld [tilespmem:s22+$0xFFFFFEC0];
	v42 =	vadd.f32 v47, v42;
	v7 =	vadd.f32 v10, v7  }
0x14e: {  	v51 =	vld [tilespmem:s22+$0xFFFFFEE0];
	v52 =	vadd.f32 v40, v41;
	v8 =	vadd.f32 v62, v43  }
0x14f: {  	v53 =	vld [tilespmem:s22+$0xFFFFFF00];
	v54 =	vadd.f32 v63, v42;
	v7 =	vadd.f32 v11, v7  }
0x150: {  	v55 =	vld [tilespmem:s22+$0xFFFFFF20];
	v8 =	vadd.f32 v48, v8;
	v11 =	vadd.f32 v38, v52  }
0x151: {  	v56 =	vld [tilespmem:s22+$0xFFFFFF40];
	v57 =	vadd.f32 v49, v54;
	v7 =	vadd.f32 v12, v7  }
0x152: {  	v58 =	vld [tilespmem:s22+$0xFFFFFF60];
	v8 =	vadd.f32 v50, v8;
	v11 =	vadd.f32 v39, v11  }
0x153: {  	v59 =	vld [tilespmem:s22+$0xFFFFFF80];
	v38 =	vadd.f32 v51, v57;
	v7 =	vadd.f32 v13, v7  }
0x154: {  	v60 =	vld [tilespmem:s22+$0xFFFFFFA0];
	v8 =	vadd.f32 v53, v8;
	v11 =	vadd.f32 v37, v11  }
0x155: {  	v61 =	vld [tilespmem:s22+$0xFFFFFFC0];
	v9 =	vadd.f32 v55, v38;
	v7 =	vadd.f32 v14, v7  }
0x156: {  	v62 =	vld [tilespmem:s22+$0xFFFFFFE0];
	v8 =	vadd.f32 v56, v8;
	v11 =	vadd.f32 v35, v11  }
0x157: {  	v63 =	vld [tilespmem:s22+$0x0];
	v9 =	vadd.f32 v58, v9;
	v7 =	vadd.f32 v15, v7  }
0x158: {  	v35 =	vld [tilespmem:s22+$0x20];
	v8 =	vadd.f32 v59, v8;
	v11 =	vadd.f32 v33, v11  }
0x159: {  	v37 =	vld [tilespmem:s22+$0x40];
	v9 =	vadd.f32 v60, v9;
	v7 =	vadd.f32 v16, v7  }
0x15a: {  	v38 =	vld [tilespmem:s22+$0x60];
	v8 =	vadd.f32 v61, v8;
	v11 =	vadd.f32 v31, v11  }
0x15b: {  	v39 =	vld [tilespmem:s22+$0x80];
	v9 =	vadd.f32 v62, v9;
	v7 =	vadd.f32 v18, v7  }
0x15c: {  	v40 =	vld [tilespmem:s22+$0xA0];
	v8 =	vadd.f32 v63, v8;
	v11 =	vadd.f32 v29, v11  }
0x15d: {  	v41 =	vld [tilespmem:s22+$0xC0];
	v9 =	vadd.f32 v35, v9;
	v7 =	vadd.f32 v20, v7  }
0x15e: {  	v42 =	vld [tilespmem:s22+$0xE0];
	v8 =	vadd.f32 v37, v8;
	v11 =	vadd.f32 v27, v11  }
0x15f: {  	v43 =	vld [tilespmem:s22+$0x100];
	v9 =	vadd.f32 v38, v9;
	v7 =	vadd.f32 v22, v7  }
0x160: {  	v44 =	vld [tilespmem:s22+$0x120];
	v8 =	vadd.f32 v39, v8;
	v11 =	vadd.f32 v25, v11  }
0x161: {  	v45 =	vld [tilespmem:s22+$0x140];
	v9 =	vadd.f32 v40, v9;
	v7 =	vadd.f32 v24, v7  }
0x162: {  	v46 =	vld [tilespmem:s22+$0x160];
	v8 =	vadd.f32 v41, v8;
	v11 =	vadd.f32 v23, v11  }
0x163: {  	v47 =	vld [tilespmem:s22+$0x180];
	v9 =	vadd.f32 v42, v9;
	v7 =	vadd.f32 v26, v7  }
0x164: {  	v48 =	vld [tilespmem:s22+$0x1A0];
	v8 =	vadd.f32 v43, v8;
	v11 =	vadd.f32 v21, v11  }
0x165: {  	v49 =	vld [tilespmem:s22+$0x1C0];
	v9 =	vadd.f32 v44, v9;
	v7 =	vadd.f32 v28, v7  }
0x166: {  	v50 =	vld [tilespmem:s22+$0x1E0];
	v8 =	vadd.f32 v45, v8;
	v11 =	vadd.f32 v19, v11  }
0x167: {  	v51 =	vld [tilespmem:s22+$0x200];
	v9 =	vadd.f32 v46, v9;
	v7 =	vadd.f32 v30, v7  }
0x168: {  	s25 =	simm.s32 $0x0;
	v53 =	vld [tilespmem:s22+$0x220];
	v8 =	vadd.f32 v47, v8;
	v11 =	vadd.f32 v17, v11  }
0x169: {  	v52 =	vld [tilespmem:s25+$0x3410];
	v9 =	vadd.f32 v48, v9;
	v7 =	vadd.f32 v32, v7  }
0x16a: {  	v54 =	vld [tilespmem:s25+$0x4410];
	v8 =	vadd.f32 v49, v8;
	v5 =	vadd.f32 v5, v11  }
0x16b: {  	v55 =	vld [tilespmem:s25+$0x3400];
	v9 =	vadd.f32 v50, v9;
	v7 =	vadd.f32 v34, v7  }
0x16c: {  	v56 =	vld [tilespmem:s25+$0x4400];
	v8 =	vadd.f32 v51, v8;
	v5 =	vadd.f32 v6, v5  }
0x16d: {  	v57 =	vld [tilespmem:s25+$0x3420];
	v9 =	vadd.f32 v53, v9;
	v7 =	vadd.f32 v36, v7  }
0x16e: {  	v58 =	vld [tilespmem:s25+$0x4420];
	v3 =	vadd.f32 v3, v8;
	v4 =	vadd.f32 v4, v5  }
0x16f: {  	v59 =	vld [tilespmem:s25+$0x3430];
	v1 =	vadd.f32 v1, v9  }
0x170: {  	v60 =	vld [tilespmem:s25+$0x4430];
	v7 =	vmul.f32 v7, v52;
	v3 =	vmul.f32 v3, v55;
	v2 =	vadd.f32 v2, v4  }
0x171: {  	v61 =	vmul.f32 v54, v52;
	v62 =	vmul.f32 v56, v55  }
0x172: {  	v1 =	vmul.f32 v1, v57;
	v3 =	vadd.f32 v7, v3;
	v0 =	vadd.f32 v0, v2  }
0x173: {  	v63 =	vmul.f32 v58, v57;
	v2 =	vadd.f32 v61, v62  }
0x174: {  	v1 =	vadd.f32 v1, v3;
	v0 =	vmul.f32 v0, v59  }
0x175: {  	v2 =	vadd.f32 v63, v2;
	v3 =	vmul.f32 v60, v59  }
0x176: {  	v1 =	vadd.f32 v0, v1  }
0x177: {  	s24 =	smov.u32 s20;
	s23 =	simm.s32 $0x100;
	s19 =	smov.u32 s20;
	v0 =	vadd.f32 v3, v2  }
.LBB2_5:
0x178: {  	p0 =	sne.s32 s23, $0x1F00;
	[tilespmem:s19+$0x0] =	vst v1;
	s24 =	sadd.s32 $0x20, s24;
	s22 =	sadd.s32 $0x500, s22  }
0x179: {  	s11 =	smov.u32 s23;
	s23 =	sadd.s32 $0x100, s23;
	[tilespmem:s19+$0xFFFFFFF0] =	vst v0;
	s19 =	smov.u32 s24  }
0x17a: {  	v2 =	vld [tilespmem:s22+$0xFFFFFD90]  }
0x17b: {  	v3 =	vld [tilespmem:s22+$0xFFFFFDD0]  }
0x17c: {  	v4 =	vld [tilespmem:s22+$0xFFFFFE10]  }
0x17d: {  	v0 =	vld [tilespmem:s22+$0x260]  }
0x17e: {  	v6 =	vld [tilespmem:s22+$0xFFFFFE50]  }
0x17f: {  	v1 =	vld [tilespmem:s22+$0x240]  }
0x180: {  	v3 =	vadd.f32 v3, v2;
	v7 =	vld [tilespmem:s22+$0xFFFFFE90]  }
0x181: {  	v2 =	vld [tilespmem:s22+$0x270]  }
0x182: {  	v3 =	vadd.f32 v4, v3;
	v8 =	vld [tilespmem:s22+$0xFFFFFED0]  }
0x183: {  	v5 =	vld [tilespmem:s22+$0x170]  }
0x184: {  	v4 =	vadd.f32 v6, v3;
	v9 =	vld [tilespmem:s22+$0xFFFFFF10]  }
0x185: {  	v3 =	vld [tilespmem:s22+$0x230]  }
0x186: {  	v6 =	vadd.f32 v7, v4;
	v10 =	vld [tilespmem:s22+$0xFFFFFF50]  }
0x187: {  	v4 =	vld [tilespmem:s22+$0x1F0]  }
0x188: {  	v7 =	vadd.f32 v8, v6;
	v8 =	vld [tilespmem:s22+$0xFFFFFF90]  }
0x189: {  	v6 =	vld [tilespmem:s22+$0x1B0]  }
0x18a: {  	v9 =	vadd.f32 v9, v7;
	v12 =	vld [tilespmem:s22+$0xFFFFFFD0]  }
0x18b: {  	v7 =	vld [tilespmem:s22+$0x130]  }
0x18c: {  	v10 =	vadd.f32 v10, v9;
	v13 =	vld [tilespmem:s22+$0x10]  }
0x18d: {  	v9 =	vld [tilespmem:s22+$0xF0]  }
0x18e: {  	v8 =	vadd.f32 v8, v10;
	v10 =	vld [tilespmem:s22+$0x50]  }
0x18f: {  	v11 =	vld [tilespmem:s22+$0xB0]  }
0x190: {  	v8 =	vadd.f32 v12, v8;
	v14 =	vld [tilespmem:s22+$0x90]  }
0x191: {  	v12 =	vld [tilespmem:s22+$0x70]  }
0x192: {  	v8 =	vadd.f32 v13, v8;
	v13 =	vld [tilespmem:s22+$0xD0]  }
0x193: {  	v15 =	vld [tilespmem:s22+$0x30]  }
0x194: {  	v8 =	vadd.f32 v10, v8;
	v10 =	vld [tilespmem:s22+$0x110]  }
0x195: {  	v16 =	vld [tilespmem:s22+$0xFFFFFFF0]  }
0x196: {  	v8 =	vadd.f32 v14, v8;
	v14 =	vld [tilespmem:s22+$0x150]  }
0x197: {  	v17 =	vld [tilespmem:s22+$0xFFFFFFB0]  }
0x198: {  	v8 =	vadd.f32 v13, v8;
	v13 =	vld [tilespmem:s22+$0x190]  }
0x199: {  	v18 =	vld [tilespmem:s22+$0xFFFFFF70]  }
0x19a: {  	v8 =	vadd.f32 v10, v8;
	v10 =	vld [tilespmem:s22+$0x1D0]  }
0x19b: {  	v19 =	vld [tilespmem:s22+$0xFFFFFF30]  }
0x19c: {  	v8 =	vadd.f32 v14, v8;
	v14 =	vld [tilespmem:s22+$0x210]  }
0x19d: {  	v20 =	vld [tilespmem:s22+$0xFFFFFEF0]  }
0x19e: {  	v13 =	vadd.f32 v13, v8;
	v21 =	vld [tilespmem:s22+$0x250]  }
0x19f: {  	s11 =	sshra.s32 s11, $0x2;
	v22 =	vld [tilespmem:s22+$0xFFFFFEB0]  }
0x1a0: {  	v8 =	vld [tilespmem:s11+$0x3410];
	v10 =	vadd.f32 v10, v13  }
0x1a1: {  	v13 =	vld [tilespmem:s22+$0xFFFFFE30]  }
0x1a2: {  	v10 =	vadd.f32 v14, v10;
	v14 =	vld [tilespmem:s22+$0xFFFFFE70]  }
0x1a3: {  	v23 =	vld [tilespmem:s22+$0xFFFFFDF0]  }
0x1a4: {  	v10 =	vadd.f32 v21, v10;
	v21 =	vld [tilespmem:s22+$0xFFFFFDB0]  }
0x1a5: {  	v24 =	vld [tilespmem:s22+$0xFFFFFDE0]  }
0x1a6: {  	v25 =	vld [tilespmem:s22+$0xFFFFFDC0];
	v10 =	vmul.f32 v10, v8  }
0x1a7: {  	v26 =	vld [tilespmem:s22+$0xFFFFFD80]  }
0x1a8: {  	v27 =	vld [tilespmem:s22+$0xFFFFFDA0]  }
0x1a9: {  	v28 =	vld [tilespmem:s22+$0xFFFFFE00];
	v21 =	vadd.f32 v23, v21  }
0x1aa: {  	v23 =	vld [tilespmem:s22+$0xFFFFFE20]  }
0x1ab: {  	v29 =	vld [tilespmem:s22+$0xFFFFFE40];
	v13 =	vadd.f32 v13, v21  }
0x1ac: {  	v21 =	vadd.f32 v25, v26;
	v25 =	vld [tilespmem:s22+$0xFFFFFE60]  }
0x1ad: {  	v26 =	vld [tilespmem:s22+$0xFFFFFE80];
	v24 =	vadd.f32 v24, v27;
	v13 =	vadd.f32 v14, v13  }
0x1ae: {  	v14 =	vadd.f32 v28, v21;
	v21 =	vld [tilespmem:s22+$0xFFFFFEA0]  }
0x1af: {  	v27 =	vld [tilespmem:s22+$0xFFFFFEC0];
	v23 =	vadd.f32 v23, v24;
	v13 =	vadd.f32 v22, v13  }
0x1b0: {  	v14 =	vadd.f32 v29, v14;
	v22 =	vld [tilespmem:s22+$0xFFFFFEE0]  }
0x1b1: {  	v24 =	vld [tilespmem:s22+$0xFFFFFF00];
	v23 =	vadd.f32 v25, v23;
	v13 =	vadd.f32 v20, v13  }
0x1b2: {  	v14 =	vadd.f32 v26, v14;
	v20 =	vld [tilespmem:s22+$0xFFFFFF20]  }
0x1b3: {  	v25 =	vld [tilespmem:s22+$0xFFFFFF40];
	v21 =	vadd.f32 v21, v23;
	v13 =	vadd.f32 v19, v13  }
0x1b4: {  	v14 =	vadd.f32 v27, v14;
	v19 =	vld [tilespmem:s22+$0xFFFFFF60]  }
0x1b5: {  	v23 =	vld [tilespmem:s22+$0xFFFFFF80];
	v21 =	vadd.f32 v22, v21;
	v13 =	vadd.f32 v18, v13  }
0x1b6: {  	v14 =	vadd.f32 v24, v14;
	v18 =	vld [tilespmem:s22+$0xFFFFFFA0]  }
0x1b7: {  	v22 =	vld [tilespmem:s22+$0xFFFFFFC0];
	v20 =	vadd.f32 v20, v21;
	v13 =	vadd.f32 v17, v13  }
0x1b8: {  	v14 =	vadd.f32 v25, v14;
	v17 =	vld [tilespmem:s22+$0xFFFFFFE0]  }
0x1b9: {  	v21 =	vld [tilespmem:s22+$0x0];
	v19 =	vadd.f32 v19, v20;
	v13 =	vadd.f32 v16, v13  }
0x1ba: {  	v14 =	vadd.f32 v23, v14;
	v16 =	vld [tilespmem:s22+$0x20]  }
0x1bb: {  	v20 =	vld [tilespmem:s22+$0x40];
	v18 =	vadd.f32 v18, v19;
	v13 =	vadd.f32 v15, v13  }
0x1bc: {  	v14 =	vadd.f32 v22, v14;
	v15 =	vld [tilespmem:s22+$0x60]  }
0x1bd: {  	v19 =	vld [tilespmem:s22+$0x80];
	v17 =	vadd.f32 v17, v18;
	v12 =	vadd.f32 v12, v13  }
0x1be: {  	v13 =	vadd.f32 v21, v14;
	v14 =	vld [tilespmem:s22+$0xA0]  }
0x1bf: {  	v18 =	vld [tilespmem:s22+$0xC0];
	v16 =	vadd.f32 v16, v17;
	v11 =	vadd.f32 v11, v12  }
0x1c0: {  	v12 =	vadd.f32 v20, v13;
	v13 =	vld [tilespmem:s22+$0xE0]  }
0x1c1: {  	v17 =	vld [tilespmem:s22+$0x100];
	v15 =	vadd.f32 v15, v16;
	v9 =	vadd.f32 v9, v11  }
0x1c2: {  	v11 =	vadd.f32 v19, v12;
	v12 =	vld [tilespmem:s22+$0x120]  }
0x1c3: {  	v16 =	vld [tilespmem:s22+$0x140];
	v14 =	vadd.f32 v14, v15;
	v7 =	vadd.f32 v7, v9  }
0x1c4: {  	v9 =	vadd.f32 v18, v11;
	v11 =	vld [tilespmem:s22+$0x160]  }
0x1c5: {  	v15 =	vld [tilespmem:s22+$0x180];
	v13 =	vadd.f32 v13, v14;
	v5 =	vadd.f32 v5, v7  }
0x1c6: {  	v7 =	vadd.f32 v17, v9;
	v9 =	vld [tilespmem:s22+$0x1A0]  }
0x1c7: {  	v14 =	vld [tilespmem:s22+$0x1C0];
	v12 =	vadd.f32 v12, v13;
	v5 =	vadd.f32 v6, v5  }
0x1c8: {  	v6 =	vadd.f32 v16, v7;
	v7 =	vld [tilespmem:s22+$0x1E0]  }
0x1c9: {  	v13 =	vld [tilespmem:s22+$0x200];
	v11 =	vadd.f32 v11, v12;
	v4 =	vadd.f32 v4, v5  }
0x1ca: {  	v5 =	vadd.f32 v15, v6;
	v6 =	vld [tilespmem:s22+$0x220]  }
0x1cb: {  	v12 =	vld [tilespmem:s11+$0x4410];
	v9 =	vadd.f32 v9, v11;
	v3 =	vadd.f32 v3, v4  }
0x1cc: {  	v4 =	vld [tilespmem:s11+$0x3400];
	v5 =	vadd.f32 v14, v5  }
0x1cd: {  	v11 =	vld [tilespmem:s11+$0x4400];
	v7 =	vadd.f32 v7, v9;
	v2 =	vadd.f32 v2, v3  }
0x1ce: {  	v3 =	vld [tilespmem:s11+$0x4420];
	v5 =	vadd.f32 v13, v5  }
0x1cf: {  	v9 =	vld [tilespmem:s11+$0x3420];
	v6 =	vadd.f32 v6, v7  }
0x1d0: {  	v7 =	vmul.f32 v12, v8;
	v1 =	vadd.f32 v1, v5  }
0x1d1: {  	v5 =	vld [tilespmem:s11+$0x3430];
	v0 =	vadd.f32 v0, v6  }
0x1d2: {  	v6 =	vmul.f32 v11, v4;
	v8 =	vld [tilespmem:s11+$0x4430];
	v1 =	vmul.f32 v1, v4;
	_ =	sdelay $0x1  }
0x1d3: {  	v4 =	vadd.f32 v7, v6;
	v1 =	vadd.f32 v10, v1;
	v0 =	vmul.f32 v0, v9  }
.Ltmp1:
0x1d4: {  	v3 =	vmul.f32 v3, v9;
	(pc) =	sbr.rel @p0 .LBB2_5-.Ltmp1, $4  }
0x1d5: {  	v0 =	vadd.f32 v0, v1;
	v1 =	vmul.f32 v2, v5  }
0x1d6: {  	v2 =	vadd.f32 v3, v4;
	v3 =	vmul.f32 v8, v5  }
0x1d7: {  	v1 =	vadd.f32 v1, v0  }
0x1d8: {  	v0 =	vadd.f32 v3, v2  }
0x1d9: {  	s21 =	sadd.s32 $0x1, s21  }
0x1da: {  	p0 =	sne.s32 s21, $0x8  }
.Ltmp2:
0x1db: {  	_ = 	snop;
	(pc) =	sbr.rel @p0 .LBB2_2-.Ltmp2, $3  }
0x1dc: {  	_ =	sdelay $0x1  }
0x1dd: {  	[tilespmem:s19+$0x0] =	vst v1  }
0x1de: {  	s17 =	sadd.s32 $0x800, s17;
	s20 =	sadd.s32 $0x800, s20;
	[tilespmem:s19+$0xFFFFFFF0] =	vst v0  }
0x1df: {  	s18 =	sadd.s32 $0x1, s18  }
0x1e0: {  	p0 =	sne.s32 s18, s9  }
.Ltmp3:
0x1e1: {  	s11 =	simm.s32 $0x18C00;
	(pc) =	sbr.rel @p0 .LBB2_1-.Ltmp3, $4  }
0x1e2: {  	[hbm4b:s8+s2] =	stream.linear.scatter [tilespmem:s11], [sflag:$0x3], $0x4000, $0x38;
	[tilespmem:$0x1CC00] =	vst v63  }
0x1e3: {  	_ =	swait.ge [sflag:s10], $0x4000  }
0x1e4: {  	[sflag:s10] =	ssyncset.done $0x0  }
0x1e5: {  	[sflag:s10] =	ssyncadd.s32 $0xFFFFC000  }
0x1e6: {  	_ =	sfence.sel $0x180000  }
0x1e7: {  	[bflag:$0x0] =	sbarrier.arrive $0xFFFF  }
0x1e8: {  	_ =	strace $0x90000047  }
0x1e9: {  	s0 =	stileid.u32;
	[bflag:$0x2] =	sbarrier.arrive $0xFFFF  }
0x1ea: {  	p0 =	sne.s32 s0, $0x0;
	s0 =	rddreg [dreg:$0x3]  }
0x1eb: {  	s0 =	sadd.s32 @!p0 $0x100000, s0  }
0x1ec: {  	[sflag:s0] =	ssyncadd.tile.s32 @!p0 $0x1;
	_ =	shalt  }
.Lfunc_end2:
_tile_overlayer_lowered:
.L_overlay_start_2:
0x1ed: {  	(tag) =	ssettag $0x2  }
0x1ee: {  	s0 =	rddreg [dreg:$0x0];
	s2 =	stileid.u32  }
0x1ef: {  	s1 =	rddreg [dreg:$0x1];
	p0 =	sne.s32 s2, $0x0  }
0x1f0: {  	s3 =	rddreg [dreg:$0x2];
	[bflag:$0x3] =	sbarrier.arrive $0xFFFF;
	s2 =	simm.s32 @!p0 $0x1C03  }
0x1f1: {  	[timem:s3], [sflag:s2] =	dma.local @!p0 [hbm:s0], s1  }
0x1f2: {  	s0 =	simm.s32 @!p0 $0x3  }
0x1f3: {  	_ =	swait.ge @!p0 [sflag:s0], s1  }
0x1f4: {  	s1 =	ssub.s32 @!p0 $0x0, s1;
	[sflag:s0] =	ssyncset.done @!p0 $0x0  }
0x1f5: {  	[sflag:s0] =	ssyncadd.s32 @!p0 s1  }
0x1f6: {  	[bflag:$0x3] =	sbarrier.arrive $0xFFFF  }
0x1f7: {  	_ =	shalt  }

</sc_bundles>
